<compile_context>
chip_gen: v7x
topology: tpu7x:2x2x1
jax: 0.10.2.dev20260603
libtpu: 0.0.44.dev20260713+nightly
codegen_flags: <defaults>
</compile_context>

<pallas_src>
import jax
import jax.numpy as jnp
from jax import lax
from jax.experimental import pallas as pl
from jax.experimental.pallas import tpu as pltpu
from jax.experimental.pallas import tpu_sc as plsc

_VOCAB = 1000000
_NUM_CODES = 256
_EMBED_DIM = 64
_BATCH = 4096
_FIELDS = 26

_TOTAL = _BATCH * _FIELDS
_NW = 32
_PER_W = _TOTAL // _NW
_CHUNK = 128
_NCH = _PER_W // _CHUNK

_BB = 1024
_GRID = _BATCH // _BB


_NH = _NCH // 2


def _sc_codes_body(ids_hbm, bits_hbm, codes_hbm, idx_v, codes_v, csem, s1, s2):
    wid = lax.axis_index("s") * 2 + lax.axis_index("c")

    c1 = pltpu.async_copy(ids_hbm.at[wid].at[pl.ds(0, _NH)],
                          idx_v.at[pl.ds(0, _NH)], s1)
    c2 = pltpu.async_copy(ids_hbm.at[wid].at[pl.ds(_NH, _NH)],
                          idx_v.at[pl.ds(_NH, _NH)], s2)

    def fire(j, carry):
        pltpu.async_copy(bits_hbm.at[idx_v.at[j]], codes_v.at[j], csem)
        return carry
    c1.wait()
    lax.fori_loop(0, _NH, fire, None)
    c2.wait()
    lax.fori_loop(_NH, _NCH, fire, None)
    pltpu.make_async_copy(ids_hbm.at[wid], codes_v, csem).wait()

    pltpu.sync_copy(codes_v, codes_hbm.at[pl.ds(wid * _NCH, _NCH)])


_RPB = _BB // _CHUNK


def _tc_decode_body(codes_ref, cbt_ref, out_ref):
    i = pl.program_id(0)
    cls = lax.broadcasted_iota(jnp.int32, (_NUM_CODES, _BB), 0)
    dn = (((0,), (0,)), ((), ()))
    for f in range(_FIELDS):
        r0 = f * (_BATCH // _CHUNK) + _RPB * i
        row = jnp.concatenate(
            [codes_ref[pl.ds(r0 + q, 1), :] for q in range(_RPB)], axis=1)
        bc = jnp.broadcast_to(row, (_NUM_CODES, _BB))
        oht = (bc == cls).astype(jnp.bfloat16)
        acc2 = lax.dot_general(cbt_ref[...], oht, dn,
                               preferred_element_type=jnp.float32)
        out_ref[f] = acc2[:_EMBED_DIM] + acc2[_EMBED_DIM:]


@jax.jit
def kernel(input, bit_arr, codebook):
    ids = input.T.reshape(_NW, _NCH, _CHUNK)

    mesh = plsc.VectorSubcoreMesh(core_axis_name="c", subcore_axis_name="s")
    sc_codes = pl.kernel(
        _sc_codes_body,
        out_type=jax.ShapeDtypeStruct((_NW * _NCH, _CHUNK), jnp.int32),
        mesh=mesh,
        scratch_types=[
            pltpu.VMEM((_NCH, _CHUNK), jnp.int32),
            pltpu.VMEM((_NCH, _CHUNK), jnp.int32),
            pltpu.SemaphoreType.DMA,
            pltpu.SemaphoreType.DMA,
            pltpu.SemaphoreType.DMA,
        ],
        compiler_params=pltpu.CompilerParams(use_tc_tiling_on_sc=False),
    )
    codes = sc_codes(ids, bit_arr)

    cb_hi = codebook.astype(jnp.bfloat16)
    cb_lo = (codebook - cb_hi.astype(jnp.float32)).astype(jnp.bfloat16)
    cb2 = jnp.concatenate([cb_hi, cb_lo], axis=1)

    decode = pl.pallas_call(
        _tc_decode_body,
        grid=(_GRID,),
        in_specs=[
            pl.BlockSpec((_NW * _NCH, _CHUNK), lambda i: (0, 0)),
            pl.BlockSpec((_NUM_CODES, 2 * _EMBED_DIM), lambda i: (0, 0)),
        ],
        out_specs=pl.BlockSpec((_FIELDS, _EMBED_DIM, _BB), lambda i: (0, 0, i)),
        out_shape=jax.ShapeDtypeStruct((_FIELDS, _EMBED_DIM, _BATCH),
                                       jnp.float32),
    )
    out_t = decode(codes, cb2)
    return jnp.transpose(out_t, (2, 0, 1))

# --- scband reference (transcript-rebuilt; emitter-appended) ---
"""Pipeline reference for scband-embedding-61993557950654 (READ-ONLY COPY).

The authoritative reference and input builder live on the scoring server;
editing this copy changes nothing except your own understanding.
"""

import jax, jax.numpy as jnp
import numpy as np

VOCAB = 1000000
NUM_CODES = 256
EMBED_DIM = 64
BATCH = 4096
FIELDS = 26


def setup_inputs(seed: int = 0) -> dict:
    key = jax.random.key(seed)
    k1, k2, k3 = jax.random.split(key, 3)
    input_ids = jax.random.randint(k1, (BATCH, FIELDS), 0, VOCAB, dtype=jnp.int32)
    # bit_arr: per-vocab-row quantization code (the 'bit array' of the compressed table)
    bit_arr = jax.random.randint(k2, (VOCAB,), 0, NUM_CODES, dtype=jnp.int32)
    # metadata['codebook']: shared codebook of embedding vectors
    codebook = jax.random.normal(k3, (NUM_CODES, EMBED_DIM), dtype=jnp.float32)
    return {"input": input_ids, "bit_arr": bit_arr, "codebook": codebook}


def reference(input, bit_arr, codebook):
    # Faithful translation of the torch forward:
    #   embeds = [decode(i, bit_arr, meta) for i in input.flatten()]
    #   return vstack(embeds).view(input.shape + [embed_dim])
    # decode(i) looks up the compressed code for vocab id i in bit_arr,
    # then dereferences the codebook row -> a [embed_dim] vector.
    flat = input.reshape(-1)
    codes = jnp.take(bit_arr, flat, axis=0)          # gather: vocab id -> code
    embeds = jnp.take(codebook, codes, axis=0)        # gather: code -> embedding
    out_shape = tuple(input.shape) + (EMBED_DIM,)
    return embeds.reshape(out_shape)

if __name__ == "__main__":
    import jax
    _d = setup_inputs()
    print(jax.jit(kernel)(*tuple(_d.values())))

</pallas_src>

<mosaic_0001>
#map = affine_map<(d0, d1) -> (0, 0, 0)>
#map1 = affine_map<(d0, d1) -> (0)>
#map2 = affine_map<(d0, d1) -> (0, 0)>
module attributes {stable_mosaic.version = 14 : i64} {
  func.func @_sc_codes_body(%arg0: i32, %arg1: i32, %arg2: memref<32x26x128xi32, #tpu.memory_space<hbm>>, %arg3: memref<1000000xi32, #tpu.memory_space<hbm>>, %arg4: memref<832x128xi32, #tpu.memory_space<hbm>>, %arg5: memref<26x128xi32, #tpu.memory_space<vmem>>, %arg6: memref<26x128xi32, #tpu.memory_space<vmem>>, %arg7: memref<!tpu.dma_semaphore, #tpu.memory_space<semaphore_mem>>, %arg8: memref<!tpu.dma_semaphore, #tpu.memory_space<semaphore_mem>>, %arg9: memref<!tpu.dma_semaphore, #tpu.memory_space<semaphore_mem>>) attributes {dimension_semantics = [#tpu.dimension_semantics<core_parallel>, #tpu.dimension_semantics<subcore_parallel>], iteration_bounds = array<i64: 2, 16>, scalar_prefetch = 0 : i64, scratch_operands = 5 : i64, tpu.core_type = #tpu.core_type<sc_vector_subcore>, window_params = [{transform_indices = #map}, {transform_indices = #map1}, {transform_indices = #map2}]} {
    %mul3A = arith.constant 2 : i32
    %mul3A_0 = arith.muli %arg1, %mul3A : i32
    %add3A = arith.addi %mul3A_0, %arg0 : i32
    %dma_start3A = arith.constant 0 : i32
    %dma_start3A_1 = arith.constant 0 : i32
    %dma_start3A_2 = tpu.memref_slice %arg5[%dma_start3A, %dma_start3A_1] : memref<26x128xi32, #tpu.memory_space<vmem>> -> memref<13x128xi32, #tpu.memory_space<vmem>>
    %dma_start3A_3 = arith.constant 0 : i32
    %dma_start3A_4 = arith.constant 0 : i32
    %dma_start3A_5 = tpu.memref_slice %arg2[%add3A, %dma_start3A_3, %dma_start3A_4] : memref<32x26x128xi32, #tpu.memory_space<hbm>> -> memref<1x26x128xi32, #tpu.memory_space<hbm>>
    %dma_start3A_6 = tpu.memref_squeeze %dma_start3A_5 : memref<1x26x128xi32, #tpu.memory_space<hbm>> -> memref<26x128xi32, #tpu.memory_space<hbm>>
    %dma_start3A_7 = arith.constant 0 : i32
    %dma_start3A_8 = arith.constant 0 : i32
    %dma_start3A_9 = tpu.memref_slice %dma_start3A_6[%dma_start3A_7, %dma_start3A_8] : memref<26x128xi32, #tpu.memory_space<hbm>> -> memref<13x128xi32, #tpu.memory_space<hbm>>
    %dma_start3A_10 = arith.constant 0 : i32
    %dma_start3A_11 = arith.constant 0 : i32
    %dma_start3A_12 = tpu.memref_slice %arg5[%dma_start3A_10, %dma_start3A_11] : memref<26x128xi32, #tpu.memory_space<vmem>> -> memref<13x128xi32, #tpu.memory_space<vmem>>
    %dma_start3A_13 = arith.constant 0 : i32
    %dma_start3A_14 = arith.constant 0 : i32
    %dma_start3A_15 = tpu.memref_slice %arg2[%add3A, %dma_start3A_13, %dma_start3A_14] : memref<32x26x128xi32, #tpu.memory_space<hbm>> -> memref<1x26x128xi32, #tpu.memory_space<hbm>>
    %dma_start3A_16 = tpu.memref_squeeze %dma_start3A_15 : memref<1x26x128xi32, #tpu.memory_space<hbm>> -> memref<26x128xi32, #tpu.memory_space<hbm>>
    %dma_start3A_17 = arith.constant 0 : i32
    %dma_start3A_18 = arith.constant 0 : i32
    %dma_start3A_19 = tpu.memref_slice %dma_start3A_16[%dma_start3A_17, %dma_start3A_18] : memref<26x128xi32, #tpu.memory_space<hbm>> -> memref<13x128xi32, #tpu.memory_space<hbm>>
    tpu.enqueue_dma source(%dma_start3A_19 : memref<13x128xi32, #tpu.memory_space<hbm>>) target(%dma_start3A_12 : memref<13x128xi32, #tpu.memory_space<vmem>>) target_semaphore(%arg8 : memref<!tpu.dma_semaphore, #tpu.memory_space<semaphore_mem>>)
    %dma_start3A_20 = arith.constant 13 : i32
    %dma_start3A_21 = arith.constant 0 : i32
    %dma_start3A_22 = tpu.memref_slice %arg5[%dma_start3A_20, %dma_start3A_21] : memref<26x128xi32, #tpu.memory_space<vmem>> -> memref<13x128xi32, #tpu.memory_space<vmem>>
    %dma_start3A_23 = arith.constant 0 : i32
    %dma_start3A_24 = arith.constant 0 : i32
    %dma_start3A_25 = tpu.memref_slice %arg2[%add3A, %dma_start3A_23, %dma_start3A_24] : memref<32x26x128xi32, #tpu.memory_space<hbm>> -> memref<1x26x128xi32, #tpu.memory_space<hbm>>
    %dma_start3A_26 = tpu.memref_squeeze %dma_start3A_25 : memref<1x26x128xi32, #tpu.memory_space<hbm>> -> memref<26x128xi32, #tpu.memory_space<hbm>>
    %dma_start3A_27 = arith.constant 13 : i32
    %dma_start3A_28 = arith.constant 0 : i32
    %dma_start3A_29 = tpu.memref_slice %dma_start3A_26[%dma_start3A_27, %dma_start3A_28] : memref<26x128xi32, #tpu.memory_space<hbm>> -> memref<13x128xi32, #tpu.memory_space<hbm>>
    %dma_start3A_30 = arith.constant 13 : i32
    %dma_start3A_31 = arith.constant 0 : i32
    %dma_start3A_32 = tpu.memref_slice %arg5[%dma_start3A_30, %dma_start3A_31] : memref<26x128xi32, #tpu.memory_space<vmem>> -> memref<13x128xi32, #tpu.memory_space<vmem>>
    %dma_start3A_33 = arith.constant 0 : i32
    %dma_start3A_34 = arith.constant 0 : i32
    %dma_start3A_35 = tpu.memref_slice %arg2[%add3A, %dma_start3A_33, %dma_start3A_34] : memref<32x26x128xi32, #tpu.memory_space<hbm>> -> memref<1x26x128xi32, #tpu.memory_space<hbm>>
    %dma_start3A_36 = tpu.memref_squeeze %dma_start3A_35 : memref<1x26x128xi32, #tpu.memory_space<hbm>> -> memref<26x128xi32, #tpu.memory_space<hbm>>
    %dma_start3A_37 = arith.constant 13 : i32
    %dma_start3A_38 = arith.constant 0 : i32
    %dma_start3A_39 = tpu.memref_slice %dma_start3A_36[%dma_start3A_37, %dma_start3A_38] : memref<26x128xi32, #tpu.memory_space<hbm>> -> memref<13x128xi32, #tpu.memory_space<hbm>>
    tpu.enqueue_dma source(%dma_start3A_39 : memref<13x128xi32, #tpu.memory_space<hbm>>) target(%dma_start3A_32 : memref<13x128xi32, #tpu.memory_space<vmem>>) target_semaphore(%arg9 : memref<!tpu.dma_semaphore, #tpu.memory_space<semaphore_mem>>)
    %dma_wait3A = arith.constant 0 : i32
    %dma_wait3A_40 = arith.constant 0 : i32
    %dma_wait3A_41 = tpu.memref_slice %arg5[%dma_wait3A, %dma_wait3A_40] : memref<26x128xi32, #tpu.memory_space<vmem>> -> memref<13x128xi32, #tpu.memory_space<vmem>>
    %dma_wait3A_42 = arith.constant 0 : i32
    %dma_wait3A_43 = arith.constant 0 : i32
    %dma_wait3A_44 = tpu.memref_slice %arg2[%add3A, %dma_wait3A_42, %dma_wait3A_43] : memref<32x26x128xi32, #tpu.memory_space<hbm>> -> memref<1x26x128xi32, #tpu.memory_space<hbm>>
    %dma_wait3A_45 = tpu.memref_squeeze %dma_wait3A_44 : memref<1x26x128xi32, #tpu.memory_space<hbm>> -> memref<26x128xi32, #tpu.memory_space<hbm>>
    %dma_wait3A_46 = arith.constant 0 : i32
    %dma_wait3A_47 = arith.constant 0 : i32
    %dma_wait3A_48 = tpu.memref_slice %dma_wait3A_45[%dma_wait3A_46, %dma_wait3A_47] : memref<26x128xi32, #tpu.memory_space<hbm>> -> memref<13x128xi32, #tpu.memory_space<hbm>>
    %dma_wait3A_49 = arith.constant 0 : i32
    %dma_wait3A_50 = arith.constant 0 : i32
    %dma_wait3A_51 = tpu.memref_slice %arg5[%dma_wait3A_49, %dma_wait3A_50] : memref<26x128xi32, #tpu.memory_space<vmem>> -> memref<13x128xi32, #tpu.memory_space<vmem>>
    %dma_wait3A_52 = arith.constant 0 : i32
    %dma_wait3A_53 = arith.constant 0 : i32
    %dma_wait3A_54 = tpu.memref_slice %arg2[%add3A, %dma_wait3A_52, %dma_wait3A_53] : memref<32x26x128xi32, #tpu.memory_space<hbm>> -> memref<1x26x128xi32, #tpu.memory_space<hbm>>
    %dma_wait3A_55 = tpu.memref_squeeze %dma_wait3A_54 : memref<1x26x128xi32, #tpu.memory_space<hbm>> -> memref<26x128xi32, #tpu.memory_space<hbm>>
    %dma_wait3A_56 = arith.constant 0 : i32
    %dma_wait3A_57 = arith.constant 0 : i32
    %dma_wait3A_58 = tpu.memref_slice %dma_wait3A_55[%dma_wait3A_56, %dma_wait3A_57] : memref<26x128xi32, #tpu.memory_space<hbm>> -> memref<13x128xi32, #tpu.memory_space<hbm>>
    tpu.wait_dma2 semaphore(%arg8 : memref<!tpu.dma_semaphore, #tpu.memory_space<semaphore_mem>>) src(%dma_wait3A_58 : memref<13x128xi32, #tpu.memory_space<hbm>>) dst(%dma_wait3A_51 : memref<13x128xi32, #tpu.memory_space<vmem>>)
    %scan3A = arith.constant 0 : i32
    %scan3A_59 = arith.constant 13 : i32
    %scan3A_60 = arith.addi %scan3A, %scan3A_59 : i32
    %scan3A_61 = arith.constant 1 : i32
    scf.for %scan3A_98 = %scan3A to %scan3A_60 step %scan3A_61  : i32 {
      %dma_start3A_99 = arith.constant 0 : i32
      %dma_start3A_100 = tpu.memref_slice %arg6[%scan3A_98, %dma_start3A_99] : memref<26x128xi32, #tpu.memory_space<vmem>> -> memref<1x128xi32, #tpu.memory_space<vmem>>
      %dma_start3A_101 = tpu.memref_squeeze %dma_start3A_100 : memref<1x128xi32, #tpu.memory_space<vmem>> -> memref<128xi32, #tpu.memory_space<vmem>>
      %dma_start3A_102 = arith.constant 0 : i32
      %dma_start3A_103 = tpu.memref_slice %arg5[%scan3A_98, %dma_start3A_102] : memref<26x128xi32, #tpu.memory_space<vmem>> -> memref<1x128xi32, #tpu.memory_space<vmem>>
      %dma_start3A_104 = tpu.memref_squeeze %dma_start3A_103 : memref<1x128xi32, #tpu.memory_space<vmem>> -> memref<128xi32, #tpu.memory_space<vmem>>
      %dma_start3A_105 = arith.constant 0 : i32
      %dma_start3A_106 = tpu.memref_slice %arg3[%dma_start3A_105] : memref<1000000xi32, #tpu.memory_space<hbm>> -> memref<1000000xi32, #tpu.memory_space<hbm>>
      tpu.enqueue_indirect_dma source(%dma_start3A_106 : memref<1000000xi32, #tpu.memory_space<hbm>>) target(%dma_start3A_101 : memref<128xi32, #tpu.memory_space<vmem>>) offsets(%dma_start3A_104 : memref<128xi32, #tpu.memory_space<vmem>>) semaphore(%arg7 : memref<!tpu.dma_semaphore, #tpu.memory_space<semaphore_mem>>)
    }
    %scan3A_62 = arith.constant 13 : i32
    %dma_wait3A_63 = arith.constant 13 : i32
    %dma_wait3A_64 = arith.constant 0 : i32
    %dma_wait3A_65 = tpu.memref_slice %arg5[%dma_wait3A_63, %dma_wait3A_64] : memref<26x128xi32, #tpu.memory_space<vmem>> -> memref<13x128xi32, #tpu.memory_space<vmem>>
    %dma_wait3A_66 = arith.constant 0 : i32
    %dma_wait3A_67 = arith.constant 0 : i32
    %dma_wait3A_68 = tpu.memref_slice %arg2[%add3A, %dma_wait3A_66, %dma_wait3A_67] : memref<32x26x128xi32, #tpu.memory_space<hbm>> -> memref<1x26x128xi32, #tpu.memory_space<hbm>>
    %dma_wait3A_69 = tpu.memref_squeeze %dma_wait3A_68 : memref<1x26x128xi32, #tpu.memory_space<hbm>> -> memref<26x128xi32, #tpu.memory_space<hbm>>
    %dma_wait3A_70 = arith.constant 13 : i32
    %dma_wait3A_71 = arith.constant 0 : i32
    %dma_wait3A_72 = tpu.memref_slice %dma_wait3A_69[%dma_wait3A_70, %dma_wait3A_71] : memref<26x128xi32, #tpu.memory_space<hbm>> -> memref<13x128xi32, #tpu.memory_space<hbm>>
    %dma_wait3A_73 = arith.constant 13 : i32
    %dma_wait3A_74 = arith.constant 0 : i32
    %dma_wait3A_75 = tpu.memref_slice %arg5[%dma_wait3A_73, %dma_wait3A_74] : memref<26x128xi32, #tpu.memory_space<vmem>> -> memref<13x128xi32, #tpu.memory_space<vmem>>
    %dma_wait3A_76 = arith.constant 0 : i32
    %dma_wait3A_77 = arith.constant 0 : i32
    %dma_wait3A_78 = tpu.memref_slice %arg2[%add3A, %dma_wait3A_76, %dma_wait3A_77] : memref<32x26x128xi32, #tpu.memory_space<hbm>> -> memref<1x26x128xi32, #tpu.memory_space<hbm>>
    %dma_wait3A_79 = tpu.memref_squeeze %dma_wait3A_78 : memref<1x26x128xi32, #tpu.memory_space<hbm>> -> memref<26x128xi32, #tpu.memory_space<hbm>>
    %dma_wait3A_80 = arith.constant 13 : i32
    %dma_wait3A_81 = arith.constant 0 : i32
    %dma_wait3A_82 = tpu.memref_slice %dma_wait3A_79[%dma_wait3A_80, %dma_wait3A_81] : memref<26x128xi32, #tpu.memory_space<hbm>> -> memref<13x128xi32, #tpu.memory_space<hbm>>
    tpu.wait_dma2 semaphore(%arg9 : memref<!tpu.dma_semaphore, #tpu.memory_space<semaphore_mem>>) src(%dma_wait3A_82 : memref<13x128xi32, #tpu.memory_space<hbm>>) dst(%dma_wait3A_75 : memref<13x128xi32, #tpu.memory_space<vmem>>)
    %scan3A_83 = arith.constant 13 : i32
    %scan3A_84 = arith.constant 13 : i32
    %scan3A_85 = arith.addi %scan3A_83, %scan3A_84 : i32
    %scan3A_86 = arith.constant 1 : i32
    scf.for %scan3A_98 = %scan3A_83 to %scan3A_85 step %scan3A_86  : i32 {
      %dma_start3A_99 = arith.constant 0 : i32
      %dma_start3A_100 = tpu.memref_slice %arg6[%scan3A_98, %dma_start3A_99] : memref<26x128xi32, #tpu.memory_space<vmem>> -> memref<1x128xi32, #tpu.memory_space<vmem>>
      %dma_start3A_101 = tpu.memref_squeeze %dma_start3A_100 : memref<1x128xi32, #tpu.memory_space<vmem>> -> memref<128xi32, #tpu.memory_space<vmem>>
      %dma_start3A_102 = arith.constant 0 : i32
      %dma_start3A_103 = tpu.memref_slice %arg5[%scan3A_98, %dma_start3A_102] : memref<26x128xi32, #tpu.memory_space<vmem>> -> memref<1x128xi32, #tpu.memory_space<vmem>>
      %dma_start3A_104 = tpu.memref_squeeze %dma_start3A_103 : memref<1x128xi32, #tpu.memory_space<vmem>> -> memref<128xi32, #tpu.memory_space<vmem>>
      %dma_start3A_105 = arith.constant 0 : i32
      %dma_start3A_106 = tpu.memref_slice %arg3[%dma_start3A_105] : memref<1000000xi32, #tpu.memory_space<hbm>> -> memref<1000000xi32, #tpu.memory_space<hbm>>
      tpu.enqueue_indirect_dma source(%dma_start3A_106 : memref<1000000xi32, #tpu.memory_space<hbm>>) target(%dma_start3A_101 : memref<128xi32, #tpu.memory_space<vmem>>) offsets(%dma_start3A_104 : memref<128xi32, #tpu.memory_space<vmem>>) semaphore(%arg7 : memref<!tpu.dma_semaphore, #tpu.memory_space<semaphore_mem>>)
    }
    %scan3A_87 = arith.constant 13 : i32
    %dma_wait3A_88 = arith.constant 0 : i32
    %dma_wait3A_89 = arith.constant 0 : i32
    %dma_wait3A_90 = tpu.memref_slice %arg2[%add3A, %dma_wait3A_88, %dma_wait3A_89] : memref<32x26x128xi32, #tpu.memory_space<hbm>> -> memref<1x26x128xi32, #tpu.memory_space<hbm>>
    %dma_wait3A_91 = tpu.memref_squeeze %dma_wait3A_90 : memref<1x26x128xi32, #tpu.memory_space<hbm>> -> memref<26x128xi32, #tpu.memory_space<hbm>>
    %dma_wait3A_92 = arith.constant 0 : i32
    %dma_wait3A_93 = arith.constant 0 : i32
    %dma_wait3A_94 = tpu.memref_slice %arg2[%add3A, %dma_wait3A_92, %dma_wait3A_93] : memref<32x26x128xi32, #tpu.memory_space<hbm>> -> memref<1x26x128xi32, #tpu.memory_space<hbm>>
    %dma_wait3A_95 = tpu.memref_squeeze %dma_wait3A_94 : memref<1x26x128xi32, #tpu.memory_space<hbm>> -> memref<26x128xi32, #tpu.memory_space<hbm>>
    tpu.wait_dma2 semaphore(%arg7 : memref<!tpu.dma_semaphore, #tpu.memory_space<semaphore_mem>>) src(%dma_wait3A_95 : memref<26x128xi32, #tpu.memory_space<hbm>>) dst(%arg6 : memref<26x128xi32, #tpu.memory_space<vmem>>)
    %mul3A_96 = arith.constant 26 : i32
    %mul3A_97 = arith.muli %add3A, %mul3A_96 : i32
    "tpu.region"() ({
      %run_scoped3A = tpu.sem_alloc : memref<!tpu.dma_semaphore, #tpu.memory_space<semaphore_mem>>
      %dma_start3A_98 = arith.constant 0 : i32
      %dma_start3A_99 = tpu.memref_slice %arg4[%mul3A_97, %dma_start3A_98] : memref<832x128xi32, #tpu.memory_space<hbm>> -> memref<26x128xi32, #tpu.memory_space<hbm>>
      %dma_start3A_100 = arith.constant 0 : i32
      %dma_start3A_101 = tpu.memref_slice %arg4[%mul3A_97, %dma_start3A_100] : memref<832x128xi32, #tpu.memory_space<hbm>> -> memref<26x128xi32, #tpu.memory_space<hbm>>
      tpu.enqueue_dma source(%arg6 : memref<26x128xi32, #tpu.memory_space<vmem>>) target(%dma_start3A_101 : memref<26x128xi32, #tpu.memory_space<hbm>>) target_semaphore(%run_scoped3A : memref<!tpu.dma_semaphore, #tpu.memory_space<semaphore_mem>>)
      %dma_wait3A_102 = arith.constant 0 : i32
      %dma_wait3A_103 = tpu.memref_slice %arg4[%mul3A_97, %dma_wait3A_102] : memref<832x128xi32, #tpu.memory_space<hbm>> -> memref<26x128xi32, #tpu.memory_space<hbm>>
      %dma_wait3A_104 = arith.constant 0 : i32
      %dma_wait3A_105 = tpu.memref_slice %arg4[%mul3A_97, %dma_wait3A_104] : memref<832x128xi32, #tpu.memory_space<hbm>> -> memref<26x128xi32, #tpu.memory_space<hbm>>
      tpu.wait_dma2 semaphore(%run_scoped3A : memref<!tpu.dma_semaphore, #tpu.memory_space<semaphore_mem>>) src(%arg6 : memref<26x128xi32, #tpu.memory_space<vmem>>) dst(%dma_wait3A_105 : memref<26x128xi32, #tpu.memory_space<hbm>>)
      tpu.yield
    }) : () -> ()
    return
  }
}

module attributes {stable_mosaic.version = 14 : i64} {
  func.func @_tc_decode_body(%arg0: i32, %arg1: memref<832x128xi32, #tpu.memory_space<vmem>>, %arg2: memref<256x128xbf16, #tpu.memory_space<vmem>>, %arg3: memref<26x64x1024xf32, #tpu.memory_space<vmem>>) attributes {dimension_semantics = [#tpu.dimension_semantics<arbitrary>], iteration_bounds = array<i64: 4>, scalar_prefetch = 0 : i64, scratch_operands = 0 : i64, tpu.core_type = #tpu.core_type<tc>, window_params = [{pipeline_mode = #tpu.pipeline_mode<synchronous>, transform_indices = @transform_0, window_bounds = array<i64: 832, 128>}, {pipeline_mode = #tpu.pipeline_mode<synchronous>, transform_indices = @transform_1, window_bounds = array<i64: 256, 128>}, {transform_indices = @transform_2, window_bounds = array<i64: 26, 64, 1024>}]} {
    %iota3A = tpu.iota {dimensions = array<i32: 0>} : vector<256x1024xi32>
    %mul3A = arith.constant 8 : i32
    %mul3A_0 = arith.muli %mul3A, %arg0 : i32
    %add3A = arith.constant 0 : i32
    %add3A_1 = arith.addi %add3A, %mul3A_0 : i32
    %add3A_2 = arith.constant 0 : i32
    %add3A_3 = arith.addi %add3A_1, %add3A_2 : i32
    %get3A = arith.index_cast %add3A_3 : i32 to index
    %get3A_4 = arith.constant 0 : index
    %get3A_5 = vector.load %arg1[%get3A, %get3A_4] : memref<832x128xi32, #tpu.memory_space<vmem>>, vector<1x128xi32>
    %add3A_6 = arith.constant 1 : i32
    %add3A_7 = arith.addi %add3A_1, %add3A_6 : i32
    %get3A_8 = arith.index_cast %add3A_7 : i32 to index
    %get3A_9 = arith.constant 0 : index
    %get3A_10 = vector.load %arg1[%get3A_8, %get3A_9] : memref<832x128xi32, #tpu.memory_space<vmem>>, vector<1x128xi32>
    %add3A_11 = arith.constant 2 : i32
    %add3A_12 = arith.addi %add3A_1, %add3A_11 : i32
    %get3A_13 = arith.index_cast %add3A_12 : i32 to index
    %get3A_14 = arith.constant 0 : index
    %get3A_15 = vector.load %arg1[%get3A_13, %get3A_14] : memref<832x128xi32, #tpu.memory_space<vmem>>, vector<1x128xi32>
    %add3A_16 = arith.constant 3 : i32
    %add3A_17 = arith.addi %add3A_1, %add3A_16 : i32
    %get3A_18 = arith.index_cast %add3A_17 : i32 to index
    %get3A_19 = arith.constant 0 : index
    %get3A_20 = vector.load %arg1[%get3A_18, %get3A_19] : memref<832x128xi32, #tpu.memory_space<vmem>>, vector<1x128xi32>
    %add3A_21 = arith.constant 4 : i32
    %add3A_22 = arith.addi %add3A_1, %add3A_21 : i32
    %get3A_23 = arith.index_cast %add3A_22 : i32 to index
    %get3A_24 = arith.constant 0 : index
    %get3A_25 = vector.load %arg1[%get3A_23, %get3A_24] : memref<832x128xi32, #tpu.memory_space<vmem>>, vector<1x128xi32>
    %add3A_26 = arith.constant 5 : i32
    %add3A_27 = arith.addi %add3A_1, %add3A_26 : i32
    %get3A_28 = arith.index_cast %add3A_27 : i32 to index
    %get3A_29 = arith.constant 0 : index
    %get3A_30 = vector.load %arg1[%get3A_28, %get3A_29] : memref<832x128xi32, #tpu.memory_space<vmem>>, vector<1x128xi32>
    %add3A_31 = arith.constant 6 : i32
    %add3A_32 = arith.addi %add3A_1, %add3A_31 : i32
    %get3A_33 = arith.index_cast %add3A_32 : i32 to index
    %get3A_34 = arith.constant 0 : index
    %get3A_35 = vector.load %arg1[%get3A_33, %get3A_34] : memref<832x128xi32, #tpu.memory_space<vmem>>, vector<1x128xi32>
    %add3A_36 = arith.constant 7 : i32
    %add3A_37 = arith.addi %add3A_1, %add3A_36 : i32
    %get3A_38 = arith.index_cast %add3A_37 : i32 to index
    %get3A_39 = arith.constant 0 : index
    %get3A_40 = vector.load %arg1[%get3A_38, %get3A_39] : memref<832x128xi32, #tpu.memory_space<vmem>>, vector<1x128xi32>
    %concatenate3A = tpu.concatenate %get3A_5, %get3A_10, %get3A_15, %get3A_20, %get3A_25, %get3A_30, %get3A_35, %get3A_40 in 1 : vector<1x128xi32>, vector<1x128xi32>, vector<1x128xi32>, vector<1x128xi32>, vector<1x128xi32>, vector<1x128xi32>, vector<1x128xi32>, vector<1x128xi32> -> vector<1x1024xi32>
    %broadcast_in_dim3A = vector.shape_cast %concatenate3A : vector<1x1024xi32> to vector<1x1024xi32>
    %broadcast_in_dim3A_41 = vector.broadcast %broadcast_in_dim3A : vector<1x1024xi32> to vector<256x1024xi32>
    %eq3A = arith.cmpi eq, %broadcast_in_dim3A_41, %iota3A : vector<256x1024xi32>
    %convert_element_type3A = arith.extui %eq3A : vector<256x1024xi1> to vector<256x1024xi32>
    %convert_element_type3A_42 = arith.sitofp %convert_element_type3A : vector<256x1024xi32> to vector<256x1024xf32>
    %convert_element_type3A_43 = arith.truncf %convert_element_type3A_42 : vector<256x1024xf32> to vector<256x1024xbf16>
    %get3A_44 = arith.constant 0 : index
    %get3A_45 = arith.constant 0 : index
    %get3A_46 = vector.load %arg2[%get3A_44, %get3A_45] : memref<256x128xbf16, #tpu.memory_space<vmem>>, vector<256x128xbf16>
    %dot_general3A = arith.constant dense<0.000000e+00> : vector<128x1024xf32>
    %dot_general3A_47 = tpu.matmul %get3A_46, %convert_element_type3A_43, %dot_general3A {dimension_numbers = #tpu.dot_dimension_numbers<[0], [0], [1], [1], [0, 1, 1, 1], [], []>, transpose_lhs_hint = false} : vector<256x128xbf16>, vector<256x1024xbf16>, vector<128x1024xf32> -> vector<128x1024xf32>
    %slice3A = vector.extract_strided_slice %dot_general3A_47 {offsets = [0, 0], sizes = [64, 1024], strides = [1, 1]} : vector<128x1024xf32> to vector<64x1024xf32>
    %slice3A_48 = vector.extract_strided_slice %dot_general3A_47 {offsets = [64, 0], sizes = [64, 1024], strides = [1, 1]} : vector<128x1024xf32> to vector<64x1024xf32>
    %add3A_49 = arith.addf %slice3A, %slice3A_48 : vector<64x1024xf32>
    %swap3A = arith.constant 0 : index
    %swap3A_50 = arith.constant 0 : index
    %swap3A_51 = arith.constant 0 : index
    %swap3A_52 = vector.load %arg3[%swap3A, %swap3A_50, %swap3A_51] : memref<26x64x1024xf32, #tpu.memory_space<vmem>>, vector<1x64x1024xf32>
    %swap3A_53 = vector.shape_cast %swap3A_52 : vector<1x64x1024xf32> to vector<64x1024xf32>
    %swap3A_54 = vector.shape_cast %add3A_49 : vector<64x1024xf32> to vector<1x64x1024xf32>
    tpu.vector_store %arg3[%swap3A, %swap3A_50, %swap3A_51], %swap3A_54 {strides = array<i32>} : memref<26x64x1024xf32, #tpu.memory_space<vmem>>, vector<1x64x1024xf32>,
    %mul3A_55 = arith.constant 8 : i32
    %mul3A_56 = arith.muli %mul3A_55, %arg0 : i32
    %add3A_57 = arith.constant 32 : i32
    %add3A_58 = arith.addi %add3A_57, %mul3A_56 : i32
    %add3A_59 = arith.constant 0 : i32
    %add3A_60 = arith.addi %add3A_58, %add3A_59 : i32
    %get3A_61 = arith.index_cast %add3A_60 : i32 to index
    %get3A_62 = arith.constant 0 : index
    %get3A_63 = vector.load %arg1[%get3A_61, %get3A_62] : memref<832x128xi32, #tpu.memory_space<vmem>>, vector<1x128xi32>
    %add3A_64 = arith.constant 1 : i32
    %add3A_65 = arith.addi %add3A_58, %add3A_64 : i32
    %get3A_66 = arith.index_cast %add3A_65 : i32 to index
    %get3A_67 = arith.constant 0 : index
    %get3A_68 = vector.load %arg1[%get3A_66, %get3A_67] : memref<832x128xi32, #tpu.memory_space<vmem>>, vector<1x128xi32>
    %add3A_69 = arith.constant 2 : i32
    %add3A_70 = arith.addi %add3A_58, %add3A_69 : i32
    %get3A_71 = arith.index_cast %add3A_70 : i32 to index
    %get3A_72 = arith.constant 0 : index
    %get3A_73 = vector.load %arg1[%get3A_71, %get3A_72] : memref<832x128xi32, #tpu.memory_space<vmem>>, vector<1x128xi32>
    %add3A_74 = arith.constant 3 : i32
    %add3A_75 = arith.addi %add3A_58, %add3A_74 : i32
    %get3A_76 = arith.index_cast %add3A_75 : i32 to index
    %get3A_77 = arith.constant 0 : index
    %get3A_78 = vector.load %arg1[%get3A_76, %get3A_77] : memref<832x128xi32, #tpu.memory_space<vmem>>, vector<1x128xi32>
    %add3A_79 = arith.constant 4 : i32
    %add3A_80 = arith.addi %add3A_58, %add3A_79 : i32
    %get3A_81 = arith.index_cast %add3A_80 : i32 to index
    %get3A_82 = arith.constant 0 : index
    %get3A_83 = vector.load %arg1[%get3A_81, %get3A_82] : memref<832x128xi32, #tpu.memory_space<vmem>>, vector<1x128xi32>
    %add3A_84 = arith.constant 5 : i32
    %add3A_85 = arith.addi %add3A_58, %add3A_84 : i32
    %get3A_86 = arith.index_cast %add3A_85 : i32 to index
    %get3A_87 = arith.constant 0 : index
    %get3A_88 = vector.load %arg1[%get3A_86, %get3A_87] : memref<832x128xi32, #tpu.memory_space<vmem>>, vector<1x128xi32>
    %add3A_89 = arith.constant 6 : i32
    %add3A_90 = arith.addi %add3A_58, %add3A_89 : i32
    %get3A_91 = arith.index_cast %add3A_90 : i32 to index
    %get3A_92 = arith.constant 0 : index
    %get3A_93 = vector.load %arg1[%get3A_91, %get3A_92] : memref<832x128xi32, #tpu.memory_space<vmem>>, vector<1x128xi32>
    %add3A_94 = arith.constant 7 : i32
    %add3A_95 = arith.addi %add3A_58, %add3A_94 : i32
    %get3A_96 = arith.index_cast %add3A_95 : i32 to index
    %get3A_97 = arith.constant 0 : index
    %get3A_98 = vector.load %arg1[%get3A_96, %get3A_97] : memref<832x128xi32, #tpu.memory_space<vmem>>, vector<1x128xi32>
    %concatenate3A_99 = tpu.concatenate %get3A_63, %get3A_68, %get3A_73, %get3A_78, %get3A_83, %get3A_88, %get3A_93, %get3A_98 in 1 : vector<1x128xi32>, vector<1x128xi32>, vector<1x128xi32>, vector<1x128xi32>, vector<1x128xi32>, vector<1x128xi32>, vector<1x128xi32>, vector<1x128xi32> -> vector<1x1024xi32>
    %broadcast_in_dim3A_100 = vector.shape_cast %concatenate3A_99 : vector<1x1024xi32> to vector<1x1024xi32>
    %broadcast_in_dim3A_101 = vector.broadcast %broadcast_in_dim3A_100 : vector<1x1024xi32> to vector<256x1024xi32>
    %eq3A_102 = arith.cmpi eq, %broadcast_in_dim3A_101, %iota3A : vector<256x1024xi32>
    %convert_element_type3A_103 = arith.extui %eq3A_102 : vector<256x1024xi1> to vector<256x1024xi32>
    %convert_element_type3A_104 = arith.sitofp %convert_element_type3A_103 : vector<256x1024xi32> to vector<256x1024xf32>
    %convert_element_type3A_105 = arith.truncf %convert_element_type3A_104 : vector<256x1024xf32> to vector<256x1024xbf16>
    %get3A_106 = arith.constant 0 : index
    %get3A_107 = arith.constant 0 : index
    %get3A_108 = vector.load %arg2[%get3A_106, %get3A_107] : memref<256x128xbf16, #tpu.memory_space<vmem>>, vector<256x128xbf16>
    %dot_general3A_109 = arith.constant dense<0.000000e+00> : vector<128x1024xf32>
    %dot_general3A_110 = tpu.matmul %get3A_108, %convert_element_type3A_105, %dot_general3A_109 {dimension_numbers = #tpu.dot_dimension_numbers<[0], [0], [1], [1], [0, 1, 1, 1], [], []>, transpose_lhs_hint = false} : vector<256x128xbf16>, vector<256x1024xbf16>, vector<128x1024xf32> -> vector<128x1024xf32>
    %slice3A_111 = vector.extract_strided_slice %dot_general3A_110 {offsets = [0, 0], sizes = [64, 1024], strides = [1, 1]} : vector<128x1024xf32> to vector<64x1024xf32>
    %slice3A_112 = vector.extract_strided_slice %dot_general3A_110 {offsets = [64, 0], sizes = [64, 1024], strides = [1, 1]} : vector<128x1024xf32> to vector<64x1024xf32>
    %add3A_113 = arith.addf %slice3A_111, %slice3A_112 : vector<64x1024xf32>
    %swap3A_114 = arith.constant 1 : index
    %swap3A_115 = arith.constant 0 : index
    %swap3A_116 = arith.constant 0 : index
    %swap3A_117 = vector.load %arg3[%swap3A_114, %swap3A_115, %swap3A_116] : memref<26x64x1024xf32, #tpu.memory_space<vmem>>, vector<1x64x1024xf32>
    %swap3A_118 = vector.shape_cast %swap3A_117 : vector<1x64x1024xf32> to vector<64x1024xf32>
    %swap3A_119 = vector.shape_cast %add3A_113 : vector<64x1024xf32> to vector<1x64x1024xf32>
    tpu.vector_store %arg3[%swap3A_114, %swap3A_115, %swap3A_116], %swap3A_119 {strides = array<i32>} : memref<26x64x1024xf32, #tpu.memory_space<vmem>>, vector<1x64x1024xf32>,
    %mul3A_120 = arith.constant 8 : i32
    %mul3A_121 = arith.muli %mul3A_120, %arg0 : i32
    %add3A_122 = arith.constant 64 : i32
    %add3A_123 = arith.addi %add3A_122, %mul3A_121 : i32
    %add3A_124 = arith.constant 0 : i32
    %add3A_125 = arith.addi %add3A_123, %add3A_124 : i32
    %get3A_126 = arith.index_cast %add3A_125 : i32 to index
    %get3A_127 = arith.constant 0 : index
    %get3A_128 = vector.load %arg1[%get3A_126, %get3A_127] : memref<832x128xi32, #tpu.memory_space<vmem>>, vector<1x128xi32>
    %add3A_129 = arith.constant 1 : i32
    %add3A_130 = arith.addi %add3A_123, %add3A_129 : i32
    %get3A_131 = arith.index_cast %add3A_130 : i32 to index
    %get3A_132 = arith.constant 0 : index
    %get3A_133 = vector.load %arg1[%get3A_131, %get3A_132] : memref<832x128xi32, #tpu.memory_space<vmem>>, vector<1x128xi32>
    %add3A_134 = arith.constant 2 : i32
    %add3A_135 = arith.addi %add3A_123, %add3A_134 : i32
    %get3A_136 = arith.index_cast %add3A_135 : i32 to index
    %get3A_137 = arith.constant 0 : index
    %get3A_138 = vector.load %arg1[%get3A_136, %get3A_137] : memref<832x128xi32, #tpu.memory_space<vmem>>, vector<1x128xi32>
    %add3A_139 = arith.constant 3 : i32
    %add3A_140 = arith.addi %add3A_123, %add3A_139 : i32
    %get3A_141 = arith.index_cast %add3A_140 : i32 to index
    %get3A_142 = arith.constant 0 : index
    %get3A_143 = vector.load %arg1[%get3A_141, %get3A_142] : memref<832x128xi32, #tpu.memory_space<vmem>>, vector<1x128xi32>
    %add3A_144 = arith.constant 4 : i32
    %add3A_145 = arith.addi %add3A_123, %add3A_144 : i32
    %get3A_146 = arith.index_cast %add3A_145 : i32 to index
    %get3A_147 = arith.constant 0 : index
    %get3A_148 = vector.load %arg1[%get3A_146, %get3A_147] : memref<832x128xi32, #tpu.memory_space<vmem>>, vector<1x128xi32>
    %add3A_149 = arith.constant 5 : i32
    %add3A_150 = arith.addi %add3A_123, %add3A_149 : i32
    %get3A_151 = arith.index_cast %add3A_150 : i32 to index
    %get3A_152 = arith.constant 0 : index
    %get3A_153 = vector.load %arg1[%get3A_151, %get3A_152] : memref<832x128xi32, #tpu.memory_space<vmem>>, vector<1x128xi32>
    %add3A_154 = arith.constant 6 : i32
    %add3A_155 = arith.addi %add3A_123, %add3A_154 : i32
    %get3A_156 = arith.index_cast %add3A_155 : i32 to index
    %get3A_157 = arith.constant 0 : index
    %get3A_158 = vector.load %arg1[%get3A_156, %get3A_157] : memref<832x128xi32, #tpu.memory_space<vmem>>, vector<1x128xi32>
    %add3A_159 = arith.constant 7 : i32
    %add3A_160 = arith.addi %add3A_123, %add3A_159 : i32
    %get3A_161 = arith.index_cast %add3A_160 : i32 to index
    %get3A_162 = arith.constant 0 : index
    %get3A_163 = vector.load %arg1[%get3A_161, %get3A_162] : memref<832x128xi32, #tpu.memory_space<vmem>>, vector<1x128xi32>
    %concatenate3A_164 = tpu.concatenate %get3A_128, %get3A_133, %get3A_138, %get3A_143, %get3A_148, %get3A_153, %get3A_158, %get3A_163 in 1 : vector<1x128xi32>, vector<1x128xi32>, vector<1x128xi32>, vector<1x128xi32>, vector<1x128xi32>, vector<1x128xi32>, vector<1x128xi32>, vector<1x128xi32> -> vector<1x1024xi32>
    %broadcast_in_dim3A_165 = vector.shape_cast %concatenate3A_164 : vector<1x1024xi32> to vector<1x1024xi32>
    %broadcast_in_dim3A_166 = vector.broadcast %broadcast_in_dim3A_165 : vector<1x1024xi32> to vector<256x1024xi32>
    %eq3A_167 = arith.cmpi eq, %broadcast_in_dim3A_166, %iota3A : vector<256x1024xi32>
    %convert_element_type3A_168 = arith.extui %eq3A_167 : vector<256x1024xi1> to vector<256x1024xi32>
    %convert_element_type3A_169 = arith.sitofp %convert_element_type3A_168 : vector<256x1024xi32> to vector<256x1024xf32>
    %convert_element_type3A_170 = arith.truncf %convert_element_type3A_169 : vector<256x1024xf32> to vector<256x1024xbf16>
    %get3A_171 = arith.constant 0 : index
    %get3A_172 = arith.constant 0 : index
    %get3A_173 = vector.load %arg2[%get3A_171, %get3A_172] : memref<256x128xbf16, #tpu.memory_space<vmem>>, vector<256x128xbf16>
    %dot_general3A_174 = arith.constant dense<0.000000e+00> : vector<128x1024xf32>
    %dot_general3A_175 = tpu.matmul %get3A_173, %convert_element_type3A_170, %dot_general3A_174 {dimension_numbers = #tpu.dot_dimension_numbers<[0], [0], [1], [1], [0, 1, 1, 1], [], []>, transpose_lhs_hint = false} : vector<256x128xbf16>, vector<256x1024xbf16>, vector<128x1024xf32> -> vector<128x1024xf32>
    %slice3A_176 = vector.extract_strided_slice %dot_general3A_175 {offsets = [0, 0], sizes = [64, 1024], strides = [1, 1]} : vector<128x1024xf32> to vector<64x1024xf32>
    %slice3A_177 = vector.extract_strided_slice %dot_general3A_175 {offsets = [64, 0], sizes = [64, 1024], strides = [1, 1]} : vector<128x1024xf32> to vector<64x1024xf32>
    %add3A_178 = arith.addf %slice3A_176, %slice3A_177 : vector<64x1024xf32>
    %swap3A_179 = arith.constant 2 : index
    %swap3A_180 = arith.constant 0 : index
    %swap3A_181 = arith.constant 0 : index
    %swap3A_182 = vector.load %arg3[%swap3A_179, %swap3A_180, %swap3A_181] : memref<26x64x1024xf32, #tpu.memory_space<vmem>>, vector<1x64x1024xf32>
    %swap3A_183 = vector.shape_cast %swap3A_182 : vector<1x64x1024xf32> to vector<64x1024xf32>
    %swap3A_184 = vector.shape_cast %add3A_178 : vector<64x1024xf32> to vector<1x64x1024xf32>
    tpu.vector_store %arg3[%swap3A_179, %swap3A_180, %swap3A_181], %swap3A_184 {strides = array<i32>} : memref<26x64x1024xf32, #tpu.memory_space<vmem>>, vector<1x64x1024xf32>,
    %mul3A_185 = arith.constant 8 : i32
    %mul3A_186 = arith.muli %mul3A_185, %arg0 : i32
    %add3A_187 = arith.constant 96 : i32
    %add3A_188 = arith.addi %add3A_187, %mul3A_186 : i32
    %add3A_189 = arith.constant 0 : i32
    %add3A_190 = arith.addi %add3A_188, %add3A_189 : i32
    %get3A_191 = arith.index_cast %add3A_190 : i32 to index
    %get3A_192 = arith.constant 0 : index
    %get3A_193 = vector.load %arg1[%get3A_191, %get3A_192] : memref<832x128xi32, #tpu.memory_space<vmem>>, vector<1x128xi32>
    %add3A_194 = arith.constant 1 : i32
    %add3A_195 = arith.addi %add3A_188, %add3A_194 : i32
    %get3A_196 = arith.index_cast %add3A_195 : i32 to index
    %get3A_197 = arith.constant 0 : index
    %get3A_198 = vector.load %arg1[%get3A_196, %get3A_197] : memref<832x128xi32, #tpu.memory_space<vmem>>, vector<1x128xi32>
    %add3A_199 = arith.constant 2 : i32
    %add3A_200 = arith.addi %add3A_188, %add3A_199 : i32
    %get3A_201 = arith.index_cast %add3A_200 : i32 to index
    %get3A_202 = arith.constant 0 : index
    %get3A_203 = vector.load %arg1[%get3A_201, %get3A_202] : memref<832x128xi32, #tpu.memory_space<vmem>>, vector<1x128xi32>
    %add3A_204 = arith.constant 3 : i32
    %add3A_205 = arith.addi %add3A_188, %add3A_204 : i32
    %get3A_206 = arith.index_cast %add3A_205 : i32 to index
    %get3A_207 = arith.constant 0 : index
    %get3A_208 = vector.load %arg1[%get3A_206, %get3A_207] : memref<832x128xi32, #tpu.memory_space<vmem>>, vector<1x128xi32>
    %add3A_209 = arith.constant 4 : i32
    %add3A_210 = arith.addi %add3A_188, %add3A_209 : i32
    %get3A_211 = arith.index_cast %add3A_210 : i32 to index
    %get3A_212 = arith.constant 0 : index
    %get3A_213 = vector.load %arg1[%get3A_211, %get3A_212] : memref<832x128xi32, #tpu.memory_space<vmem>>, vector<1x128xi32>
    %add3A_214 = arith.constant 5 : i32
    %add3A_215 = arith.addi %add3A_188, %add3A_214 : i32
    %get3A_216 = arith.index_cast %add3A_215 : i32 to index
    %get3A_217 = arith.constant 0 : index
    %get3A_218 = vector.load %arg1[%get3A_216, %get3A_217] : memref<832x128xi32, #tpu.memory_space<vmem>>, vector<1x128xi32>
    %add3A_219 = arith.constant 6 : i32
    %add3A_220 = arith.addi %add3A_188, %add3A_219 : i32
    %get3A_221 = arith.index_cast %add3A_220 : i32 to index
    %get3A_222 = arith.constant 0 : index
    %get3A_223 = vector.load %arg1[%get3A_221, %get3A_222] : memref<832x128xi32, #tpu.memory_space<vmem>>, vector<1x128xi32>
    %add3A_224 = arith.constant 7 : i32
    %add3A_225 = arith.addi %add3A_188, %add3A_224 : i32
    %get3A_226 = arith.index_cast %add3A_225 : i32 to index
    %get3A_227 = arith.constant 0 : index
    %get3A_228 = vector.load %arg1[%get3A_226, %get3A_227] : memref<832x128xi32, #tpu.memory_space<vmem>>, vector<1x128xi32>
    %concatenate3A_229 = tpu.concatenate %get3A_193, %get3A_198, %get3A_203, %get3A_208, %get3A_213, %get3A_218, %get3A_223, %get3A_228 in 1 : vector<1x128xi32>, vector<1x128xi32>, vector<1x128xi32>, vector<1x128xi32>, vector<1x128xi32>, vector<1x128xi32>, vector<1x128xi32>, vector<1x128xi32> -> vector<1x1024xi32>
    %broadcast_in_dim3A_230 = vector.shape_cast %concatenate3A_229 : vector<1x1024xi32> to vector<1x1024xi32>
    %broadcast_in_dim3A_231 = vector.broadcast %broadcast_in_dim3A_230 : vector<1x1024xi32> to vector<256x1024xi32>
    %eq3A_232 = arith.cmpi eq, %broadcast_in_dim3A_231, %iota3A : vector<256x1024xi32>
    %convert_element_type3A_233 = arith.extui %eq3A_232 : vector<256x1024xi1> to vector<256x1024xi32>
    %convert_element_type3A_234 = arith.sitofp %convert_element_type3A_233 : vector<256x1024xi32> to vector<256x1024xf32>
    %convert_element_type3A_235 = arith.truncf %convert_element_type3A_234 : vector<256x1024xf32> to vector<256x1024xbf16>
    %get3A_236 = arith.constant 0 : index
    %get3A_237 = arith.constant 0 : index
    %get3A_238 = vector.load %arg2[%get3A_236, %get3A_237] : memref<256x128xbf16, #tpu.memory_space<vmem>>, vector<256x128xbf16>
    %dot_general3A_239 = arith.constant dense<0.000000e+00> : vector<128x1024xf32>
    %dot_general3A_240 = tpu.matmul %get3A_238, %convert_element_type3A_235, %dot_general3A_239 {dimension_numbers = #tpu.dot_dimension_numbers<[0], [0], [1], [1], [0, 1, 1, 1], [], []>, transpose_lhs_hint = false} : vector<256x128xbf16>, vector<256x1024xbf16>, vector<128x1024xf32> -> vector<128x1024xf32>
    %slice3A_241 = vector.extract_strided_slice %dot_general3A_240 {offsets = [0, 0], sizes = [64, 1024], strides = [1, 1]} : vector<128x1024xf32> to vector<64x1024xf32>
    %slice3A_242 = vector.extract_strided_slice %dot_general3A_240 {offsets = [64, 0], sizes = [64, 1024], strides = [1, 1]} : vector<128x1024xf32> to vector<64x1024xf32>
    %add3A_243 = arith.addf %slice3A_241, %slice3A_242 : vector<64x1024xf32>
    %swap3A_244 = arith.constant 3 : index
    %swap3A_245 = arith.constant 0 : index
    %swap3A_246 = arith.constant 0 : index
    %swap3A_247 = vector.load %arg3[%swap3A_244, %swap3A_245, %swap3A_246] : memref<26x64x1024xf32, #tpu.memory_space<vmem>>, vector<1x64x1024xf32>
    %swap3A_248 = vector.shape_cast %swap3A_247 : vector<1x64x1024xf32> to vector<64x1024xf32>
    %swap3A_249 = vector.shape_cast %add3A_243 : vector<64x1024xf32> to vector<1x64x1024xf32>
    tpu.vector_store %arg3[%swap3A_244, %swap3A_245, %swap3A_246], %swap3A_249 {strides = array<i32>} : memref<26x64x1024xf32, #tpu.memory_space<vmem>>, vector<1x64x1024xf32>,
    %mul3A_250 = arith.constant 8 : i32
    %mul3A_251 = arith.muli %mul3A_250, %arg0 : i32
    %add3A_252 = arith.constant 128 : i32
    %add3A_253 = arith.addi %add3A_252, %mul3A_251 : i32
    %add3A_254 = arith.constant 0 : i32
    %add3A_255 = arith.addi %add3A_253, %add3A_254 : i32
    %get3A_256 = arith.index_cast %add3A_255 : i32 to index
    %get3A_257 = arith.constant 0 : index
    %get3A_258 = vector.load %arg1[%get3A_256, %get3A_257] : memref<832x128xi32, #tpu.memory_space<vmem>>, vector<1x128xi32>
    %add3A_259 = arith.constant 1 : i32
    %add3A_260 = arith.addi %add3A_253, %add3A_259 : i32
    %get3A_261 = arith.index_cast %add3A_260 : i32 to index
    %get3A_262 = arith.constant 0 : index
    %get3A_263 = vector.load %arg1[%get3A_261, %get3A_262] : memref<832x128xi32, #tpu.memory_space<vmem>>, vector<1x128xi32>
    %add3A_264 = arith.constant 2 : i32
    %add3A_265 = arith.addi %add3A_253, %add3A_264 : i32
    %get3A_266 = arith.index_cast %add3A_265 : i32 to index
    %get3A_267 = arith.constant 0 : index
    %get3A_268 = vector.load %arg1[%get3A_266, %get3A_267] : memref<832x128xi32, #tpu.memory_space<vmem>>, vector<1x128xi32>
    %add3A_269 = arith.constant 3 : i32
    %add3A_270 = arith.addi %add3A_253, %add3A_269 : i32
    %get3A_271 = arith.index_cast %add3A_270 : i32 to index
    %get3A_272 = arith.constant 0 : index
    %get3A_273 = vector.load %arg1[%get3A_271, %get3A_272] : memref<832x128xi32, #tpu.memory_space<vmem>>, vector<1x128xi32>
    %add3A_274 = arith.constant 4 : i32
    %add3A_275 = arith.addi %add3A_253, %add3A_274 : i32
    %get3A_276 = arith.index_cast %add3A_275 : i32 to index
    %get3A_277 = arith.constant 0 : index
    %get3A_278 = vector.load %arg1[%get3A_276, %get3A_277] : memref<832x128xi32, #tpu.memory_space<vmem>>, vector<1x128xi32>
    %add3A_279 = arith.constant 5 : i32
    %add3A_280 = arith.addi %add3A_253, %add3A_279 : i32
    %get3A_281 = arith.index_cast %add3A_280 : i32 to index
    %get3A_282 = arith.constant 0 : index
    %get3A_283 = vector.load %arg1[%get3A_281, %get3A_282] : memref<832x128xi32, #tpu.memory_space<vmem>>, vector<1x128xi32>
    %add3A_284 = arith.constant 6 : i32
    %add3A_285 = arith.addi %add3A_253, %add3A_284 : i32
    %get3A_286 = arith.index_cast %add3A_285 : i32 to index
    %get3A_287 = arith.constant 0 : index
    %get3A_288 = vector.load %arg1[%get3A_286, %get3A_287] : memref<832x128xi32, #tpu.memory_space<vmem>>, vector<1x128xi32>
    %add3A_289 = arith.constant 7 : i32
    %add3A_290 = arith.addi %add3A_253, %add3A_289 : i32
    %get3A_291 = arith.index_cast %add3A_290 : i32 to index
    %get3A_292 = arith.constant 0 : index
    %get3A_293 = vector.load %arg1[%get3A_291, %get3A_292] : memref<832x128xi32, #tpu.memory_space<vmem>>, vector<1x128xi32>
    %concatenate3A_294 = tpu.concatenate %get3A_258, %get3A_263, %get3A_268, %get3A_273, %get3A_278, %get3A_283, %get3A_288, %get3A_293 in 1 : vector<1x128xi32>, vector<1x128xi32>, vector<1x128xi32>, vector<1x128xi32>, vector<1x128xi32>, vector<1x128xi32>, vector<1x128xi32>, vector<1x128xi32> -> vector<1x1024xi32>
    %broadcast_in_dim3A_295 = vector.shape_cast %concatenate3A_294 : vector<1x1024xi32> to vector<1x1024xi32>
    %broadcast_in_dim3A_296 = vector.broadcast %broadcast_in_dim3A_295 : vector<1x1024xi32> to vector<256x1024xi32>
    %eq3A_297 = arith.cmpi eq, %broadcast_in_dim3A_296, %iota3A : vector<256x1024xi32>
    %convert_element_type3A_298 = arith.extui %eq3A_297 : vector<256x1024xi1> to vector<256x1024xi32>
    %convert_element_type3A_299 = arith.sitofp %convert_element_type3A_298 : vector<256x1024xi32> to vector<256x1024xf32>
    %convert_element_type3A_300 = arith.truncf %convert_element_type3A_299 : vector<256x1024xf32> to vector<256x1024xbf16>
    %get3A_301 = arith.constant 0 : index
    %get3A_302 = arith.constant 0 : index
    %get3A_303 = vector.load %arg2[%get3A_301, %get3A_302] : memref<256x128xbf16, #tpu.memory_space<vmem>>, vector<256x128xbf16>
    %dot_general3A_304 = arith.constant dense<0.000000e+00> : vector<128x1024xf32>
    %dot_general3A_305 = tpu.matmul %get3A_303, %convert_element_type3A_300, %dot_general3A_304 {dimension_numbers = #tpu.dot_dimension_numbers<[0], [0], [1], [1], [0, 1, 1, 1], [], []>, transpose_lhs_hint = false} : vector<256x128xbf16>, vector<256x1024xbf16>, vector<128x1024xf32> -> vector<128x1024xf32>
    %slice3A_306 = vector.extract_strided_slice %dot_general3A_305 {offsets = [0, 0], sizes = [64, 1024], strides = [1, 1]} : vector<128x1024xf32> to vector<64x1024xf32>
    %slice3A_307 = vector.extract_strided_slice %dot_general3A_305 {offsets = [64, 0], sizes = [64, 1024], strides = [1, 1]} : vector<128x1024xf32> to vector<64x1024xf32>
    %add3A_308 = arith.addf %slice3A_306, %slice3A_307 : vector<64x1024xf32>
    %swap3A_309 = arith.constant 4 : index
    %swap3A_310 = arith.constant 0 : index
    %swap3A_311 = arith.constant 0 : index
    %swap3A_312 = vector.load %arg3[%swap3A_309, %swap3A_310, %swap3A_311] : memref<26x64x1024xf32, #tpu.memory_space<vmem>>, vector<1x64x1024xf32>
    %swap3A_313 = vector.shape_cast %swap3A_312 : vector<1x64x1024xf32> to vector<64x1024xf32>
    %swap3A_314 = vector.shape_cast %add3A_308 : vector<64x1024xf32> to vector<1x64x1024xf32>
    tpu.vector_store %arg3[%swap3A_309, %swap3A_310, %swap3A_311], %swap3A_314 {strides = array<i32>} : memref<26x64x1024xf32, #tpu.memory_space<vmem>>, vector<1x64x1024xf32>,
    %mul3A_315 = arith.constant 8 : i32
    %mul3A_316 = arith.muli %mul3A_315, %arg0 : i32
    %add3A_317 = arith.constant 160 : i32
    %add3A_318 = arith.addi %add3A_317, %mul3A_316 : i32
    %add3A_319 = arith.constant 0 : i32
    %add3A_320 = arith.addi %add3A_318, %add3A_319 : i32
    %get3A_321 = arith.index_cast %add3A_320 : i32 to index
    %get3A_322 = arith.constant 0 : index
    %get3A_323 = vector.load %arg1[%get3A_321, %get3A_322] : memref<832x128xi32, #tpu.memory_space<vmem>>, vector<1x128xi32>
    %add3A_324 = arith.constant 1 : i32
    %add3A_325 = arith.addi %add3A_318, %add3A_324 : i32
    %get3A_326 = arith.index_cast %add3A_325 : i32 to index
    %get3A_327 = arith.constant 0 : index
    %get3A_328 = vector.load %arg1[%get3A_326, %get3A_327] : memref<832x128xi32, #tpu.memory_space<vmem>>, vector<1x128xi32>
    %add3A_329 = arith.constant 2 : i32
    %add3A_330 = arith.addi %add3A_318, %add3A_329 : i32
    %get3A_331 = arith.index_cast %add3A_330 : i32 to index
    %get3A_332 = arith.constant 0 : index
    %get3A_333 = vector.load %arg1[%get3A_331, %get3A_332] : memref<832x128xi32, #tpu.memory_space<vmem>>, vector<1x128xi32>
    %add3A_334 = arith.constant 3 : i32
    %add3A_335 = arith.addi %add3A_318, %add3A_334 : i32
    %get3A_336 = arith.index_cast %add3A_335 : i32 to index
    %get3A_337 = arith.constant 0 : index
    %get3A_338 = vector.load %arg1[%get3A_336, %get3A_337] : memref<832x128xi32, #tpu.memory_space<vmem>>, vector<1x128xi32>
    %add3A_339 = arith.constant 4 : i32
    %add3A_340 = arith.addi %add3A_318, %add3A_339 : i32
    %get3A_341 = arith.index_cast %add3A_340 : i32 to index
    %get3A_342 = arith.constant 0 : index
    %get3A_343 = vector.load %arg1[%get3A_341, %get3A_342] : memref<832x128xi32, #tpu.memory_space<vmem>>, vector<1x128xi32>
    %add3A_344 = arith.constant 5 : i32
    %add3A_345 = arith.addi %add3A_318, %add3A_344 : i32
    %get3A_346 = arith.index_cast %add3A_345 : i32 to index
    %get3A_347 = arith.constant 0 : index
    %get3A_348 = vector.load %arg1[%get3A_346, %get3A_347] : memref<832x128xi32, #tpu.memory_space<vmem>>, vector<1x128xi32>
    %add3A_349 = arith.constant 6 : i32
    %add3A_350 = arith.addi %add3A_318, %add3A_349 : i32
    %get3A_351 = arith.index_cast %add3A_350 : i32 to index
    %get3A_352 = arith.constant 0 : index
    %get3A_353 = vector.load %arg1[%get3A_351, %get3A_352] : memref<832x128xi32, #tpu.memory_space<vmem>>, vector<1x128xi32>
    %add3A_354 = arith.constant 7 : i32
    %add3A_355 = arith.addi %add3A_318, %add3A_354 : i32
    %get3A_356 = arith.index_cast %add3A_355 : i32 to index
    %get3A_357 = arith.constant 0 : index
    %get3A_358 = vector.load %arg1[%get3A_356, %get3A_357] : memref<832x128xi32, #tpu.memory_space<vmem>>, vector<1x128xi32>
    %concatenate3A_359 = tpu.concatenate %get3A_323, %get3A_328, %get3A_333, %get3A_338, %get3A_343, %get3A_348, %get3A_353, %get3A_358 in 1 : vector<1x128xi32>, vector<1x128xi32>, vector<1x128xi32>, vector<1x128xi32>, vector<1x128xi32>, vector<1x128xi32>, vector<1x128xi32>, vector<1x128xi32> -> vector<1x1024xi32>
    %broadcast_in_dim3A_360 = vector.shape_cast %concatenate3A_359 : vector<1x1024xi32> to vector<1x1024xi32>
    %broadcast_in_dim3A_361 = vector.broadcast %broadcast_in_dim3A_360 : vector<1x1024xi32> to vector<256x1024xi32>
    %eq3A_362 = arith.cmpi eq, %broadcast_in_dim3A_361, %iota3A : vector<256x1024xi32>
    %convert_element_type3A_363 = arith.extui %eq3A_362 : vector<256x1024xi1> to vector<256x1024xi32>
    %convert_element_type3A_364 = arith.sitofp %convert_element_type3A_363 : vector<256x1024xi32> to vector<256x1024xf32>
    %convert_element_type3A_365 = arith.truncf %convert_element_type3A_364 : vector<256x1024xf32> to vector<256x1024xbf16>
    %get3A_366 = arith.constant 0 : index
    %get3A_367 = arith.constant 0 : index
    %get3A_368 = vector.load %arg2[%get3A_366, %get3A_367] : memref<256x128xbf16, #tpu.memory_space<vmem>>, vector<256x128xbf16>
    %dot_general3A_369 = arith.constant dense<0.000000e+00> : vector<128x1024xf32>
    %dot_general3A_370 = tpu.matmul %get3A_368, %convert_element_type3A_365, %dot_general3A_369 {dimension_numbers = #tpu.dot_dimension_numbers<[0], [0], [1], [1], [0, 1, 1, 1], [], []>, transpose_lhs_hint = false} : vector<256x128xbf16>, vector<256x1024xbf16>, vector<128x1024xf32> -> vector<128x1024xf32>
    %slice3A_371 = vector.extract_strided_slice %dot_general3A_370 {offsets = [0, 0], sizes = [64, 1024], strides = [1, 1]} : vector<128x1024xf32> to vector<64x1024xf32>
    %slice3A_372 = vector.extract_strided_slice %dot_general3A_370 {offsets = [64, 0], sizes = [64, 1024], strides = [1, 1]} : vector<128x1024xf32> to vector<64x1024xf32>
    %add3A_373 = arith.addf %slice3A_371, %slice3A_372 : vector<64x1024xf32>
    %swap3A_374 = arith.constant 5 : index
    %swap3A_375 = arith.constant 0 : index
    %swap3A_376 = arith.constant 0 : index
    %swap3A_377 = vector.load %arg3[%swap3A_374, %swap3A_375, %swap3A_376] : memref<26x64x1024xf32, #tpu.memory_space<vmem>>, vector<1x64x1024xf32>
    %swap3A_378 = vector.shape_cast %swap3A_377 : vector<1x64x1024xf32> to vector<64x1024xf32>
    %swap3A_379 = vector.shape_cast %add3A_373 : vector<64x1024xf32> to vector<1x64x1024xf32>
    tpu.vector_store %arg3[%swap3A_374, %swap3A_375, %swap3A_376], %swap3A_379 {strides = array<i32>} : memref<26x64x1024xf32, #tpu.memory_space<vmem>>, vector<1x64x1024xf32>,
    %mul3A_380 = arith.constant 8 : i32
    %mul3A_381 = arith.muli %mul3A_380, %arg0 : i32
    %add3A_382 = arith.constant 192 : i32
    %add3A_383 = arith.addi %add3A_382, %mul3A_381 : i32
    %add3A_384 = arith.constant 0 : i32
    %add3A_385 = arith.addi %add3A_383, %add3A_384 : i32
    %get3A_386 = arith.index_cast %add3A_385 : i32 to index
    %get3A_387 = arith.constant 0 : index
    %get3A_388 = vector.load %arg1[%get3A_386, %get3A_387] : memref<832x128xi32, #tpu.memory_space<vmem>>, vector<1x128xi32>
    %add3A_389 = arith.constant 1 : i32
    %add3A_390 = arith.addi %add3A_383, %add3A_389 : i32
    %get3A_391 = arith.index_cast %add3A_390 : i32 to index
    %get3A_392 = arith.constant 0 : index
    %get3A_393 = vector.load %arg1[%get3A_391, %get3A_392] : memref<832x128xi32, #tpu.memory_space<vmem>>, vector<1x128xi32>
    %add3A_394 = arith.constant 2 : i32
    %add3A_395 = arith.addi %add3A_383, %add3A_394 : i32
    %get3A_396 = arith.index_cast %add3A_395 : i32 to index
    %get3A_397 = arith.constant 0 : index
    %get3A_398 = vector.load %arg1[%get3A_396, %get3A_397] : memref<832x128xi32, #tpu.memory_space<vmem>>, vector<1x128xi32>
    %add3A_399 = arith.constant 3 : i32
    %add3A_400 = arith.addi %add3A_383, %add3A_399 : i32
    %get3A_401 = arith.index_cast %add3A_400 : i32 to index
    %get3A_402 = arith.constant 0 : index
    %get3A_403 = vector.load %arg1[%get3A_401, %get3A_402] : memref<832x128xi32, #tpu.memory_space<vmem>>, vector<1x128xi32>
    %add3A_404 = arith.constant 4 : i32
    %add3A_405 = arith.addi %add3A_383, %add3A_404 : i32
    %get3A_406 = arith.index_cast %add3A_405 : i32 to index
    %get3A_407 = arith.constant 0 : index
    %get3A_408 = vector.load %arg1[%get3A_406, %get3A_407] : memref<832x128xi32, #tpu.memory_space<vmem>>, vector<1x128xi32>
    %add3A_409 = arith.constant 5 : i32
    %add3A_410 = arith.addi %add3A_383, %add3A_409 : i32
    %get3A_411 = arith.index_cast %add3A_410 : i32 to index
    %get3A_412 = arith.constant 0 : index
    %get3A_413 = vector.load %arg1[%get3A_411, %get3A_412] : memref<832x128xi32, #tpu.memory_space<vmem>>, vector<1x128xi32>
    %add3A_414 = arith.constant 6 : i32
    %add3A_415 = arith.addi %add3A_383, %add3A_414 : i32
    %get3A_416 = arith.index_cast %add3A_415 : i32 to index
    %get3A_417 = arith.constant 0 : index
    %get3A_418 = vector.load %arg1[%get3A_416, %get3A_417] : memref<832x128xi32, #tpu.memory_space<vmem>>, vector<1x128xi32>
    %add3A_419 = arith.constant 7 : i32
    %add3A_420 = arith.addi %add3A_383, %add3A_419 : i32
    %get3A_421 = arith.index_cast %add3A_420 : i32 to index
    %get3A_422 = arith.constant 0 : index
    %get3A_423 = vector.load %arg1[%get3A_421, %get3A_422] : memref<832x128xi32, #tpu.memory_space<vmem>>, vector<1x128xi32>
    %concatenate3A_424 = tpu.concatenate %get3A_388, %get3A_393, %get3A_398, %get3A_403, %get3A_408, %get3A_413, %get3A_418, %get3A_423 in 1 : vector<1x128xi32>, vector<1x128xi32>, vector<1x128xi32>, vector<1x128xi32>, vector<1x128xi32>, vector<1x128xi32>, vector<1x128xi32>, vector<1x128xi32> -> vector<1x1024xi32>
    %broadcast_in_dim3A_425 = vector.shape_cast %concatenate3A_424 : vector<1x1024xi32> to vector<1x1024xi32>
    %broadcast_in_dim3A_426 = vector.broadcast %broadcast_in_dim3A_425 : vector<1x1024xi32> to vector<256x1024xi32>
    %eq3A_427 = arith.cmpi eq, %broadcast_in_dim3A_426, %iota3A : vector<256x1024xi32>
    %convert_element_type3A_428 = arith.extui %eq3A_427 : vector<256x1024xi1> to vector<256x1024xi32>
    %convert_element_type3A_429 = arith.sitofp %convert_element_type3A_428 : vector<256x1024xi32> to vector<256x1024xf32>
    %convert_element_type3A_430 = arith.truncf %convert_element_type3A_429 : vector<256x1024xf32> to vector<256x1024xbf16>
    %get3A_431 = arith.constant 0 : index
    %get3A_432 = arith.constant 0 : index
    %get3A_433 = vector.load %arg2[%get3A_431, %get3A_432] : memref<256x128xbf16, #tpu.memory_space<vmem>>, vector<256x128xbf16>
    %dot_general3A_434 = arith.constant dense<0.000000e+00> : vector<128x1024xf32>
    %dot_general3A_435 = tpu.matmul %get3A_433, %convert_element_type3A_430, %dot_general3A_434 {dimension_numbers = #tpu.dot_dimension_numbers<[0], [0], [1], [1], [0, 1, 1, 1], [], []>, transpose_lhs_hint = false} : vector<256x128xbf16>, vector<256x1024xbf16>, vector<128x1024xf32> -> vector<128x1024xf32>
    %slice3A_436 = vector.extract_strided_slice %dot_general3A_435 {offsets = [0, 0], sizes = [64, 1024], strides = [1, 1]} : vector<128x1024xf32> to vector<64x1024xf32>
    %slice3A_437 = vector.extract_strided_slice %dot_general3A_435 {offsets = [64, 0], sizes = [64, 1024], strides = [1, 1]} : vector<128x1024xf32> to vector<64x1024xf32>
    %add3A_438 = arith.addf %slice3A_436, %slice3A_437 : vector<64x1024xf32>
    %swap3A_439 = arith.constant 6 : index
    %swap3A_440 = arith.constant 0 : index
    %swap3A_441 = arith.constant 0 : index
    %swap3A_442 = vector.load %arg3[%swap3A_439, %swap3A_440, %swap3A_441] : memref<26x64x1024xf32, #tpu.memory_space<vmem>>, vector<1x64x1024xf32>
    %swap3A_443 = vector.shape_cast %swap3A_442 : vector<1x64x1024xf32> to vector<64x1024xf32>
    %swap3A_444 = vector.shape_cast %add3A_438 : vector<64x1024xf32> to vector<1x64x1024xf32>
    tpu.vector_store %arg3[%swap3A_439, %swap3A_440, %swap3A_441], %swap3A_444 {strides = array<i32>} : memref<26x64x1024xf32, #tpu.memory_space<vmem>>, vector<1x64x1024xf32>,
    %mul3A_445 = arith.constant 8 : i32
    %mul3A_446 = arith.muli %mul3A_445, %arg0 : i32
    %add3A_447 = arith.constant 224 : i32
    %add3A_448 = arith.addi %add3A_447, %mul3A_446 : i32
    %add3A_449 = arith.constant 0 : i32
    %add3A_450 = arith.addi %add3A_448, %add3A_449 : i32
    %get3A_451 = arith.index_cast %add3A_450 : i32 to index
    %get3A_452 = arith.constant 0 : index
    %get3A_453 = vector.load %arg1[%get3A_451, %get3A_452] : memref<832x128xi32, #tpu.memory_space<vmem>>, vector<1x128xi32>
    %add3A_454 = arith.constant 1 : i32
    %add3A_455 = arith.addi %add3A_448, %add3A_454 : i32
    %get3A_456 = arith.index_cast %add3A_455 : i32 to index
    %get3A_457 = arith.constant 0 : index
    %get3A_458 = vector.load %arg1[%get3A_456, %get3A_457] : memref<832x128xi32, #tpu.memory_space<vmem>>, vector<1x128xi32>
    %add3A_459 = arith.constant 2 : i32
    %add3A_460 = arith.addi %add3A_448, %add3A_459 : i32
    %get3A_461 = arith.index_cast %add3A_460 : i32 to index
    %get3A_462 = arith.constant 0 : index
    %get3A_463 = vector.load %arg1[%get3A_461, %get3A_462] : memref<832x128xi32, #tpu.memory_space<vmem>>, vector<1x128xi32>
    %add3A_464 = arith.constant 3 : i32
    %add3A_465 = arith.addi %add3A_448, %add3A_464 : i32
    %get3A_466 = arith.index_cast %add3A_465 : i32 to index
    %get3A_467 = arith.constant 0 : index
    %get3A_468 = vector.load %arg1[%get3A_466, %get3A_467] : memref<832x128xi32, #tpu.memory_space<vmem>>, vector<1x128xi32>
    %add3A_469 = arith.constant 4 : i32
    %add3A_470 = arith.addi %add3A_448, %add3A_469 : i32
    %get3A_471 = arith.index_cast %add3A_470 : i32 to index
    %get3A_472 = arith.constant 0 : index
    %get3A_473 = vector.load %arg1[%get3A_471, %get3A_472] : memref<832x128xi32, #tpu.memory_space<vmem>>, vector<1x128xi32>
    %add3A_474 = arith.constant 5 : i32
    %add3A_475 = arith.addi %add3A_448, %add3A_474 : i32
    %get3A_476 = arith.index_cast %add3A_475 : i32 to index
    %get3A_477 = arith.constant 0 : index
    %get3A_478 = vector.load %arg1[%get3A_476, %get3A_477] : memref<832x128xi32, #tpu.memory_space<vmem>>, vector<1x128xi32>
    %add3A_479 = arith.constant 6 : i32
    %add3A_480 = arith.addi %add3A_448, %add3A_479 : i32
    %get3A_481 = arith.index_cast %add3A_480 : i32 to index
    %get3A_482 = arith.constant 0 : index
    %get3A_483 = vector.load %arg1[%get3A_481, %get3A_482] : memref<832x128xi32, #tpu.memory_space<vmem>>, vector<1x128xi32>
    %add3A_484 = arith.constant 7 : i32
    %add3A_485 = arith.addi %add3A_448, %add3A_484 : i32
    %get3A_486 = arith.index_cast %add3A_485 : i32 to index
    %get3A_487 = arith.constant 0 : index
    %get3A_488 = vector.load %arg1[%get3A_486, %get3A_487] : memref<832x128xi32, #tpu.memory_space<vmem>>, vector<1x128xi32>
    %concatenate3A_489 = tpu.concatenate %get3A_453, %get3A_458, %get3A_463, %get3A_468, %get3A_473, %get3A_478, %get3A_483, %get3A_488 in 1 : vector<1x128xi32>, vector<1x128xi32>, vector<1x128xi32>, vector<1x128xi32>, vector<1x128xi32>, vector<1x128xi32>, vector<1x128xi32>, vector<1x128xi32> -> vector<1x1024xi32>
    %broadcast_in_dim3A_490 = vector.shape_cast %concatenate3A_489 : vector<1x1024xi32> to vector<1x1024xi32>
    %broadcast_in_dim3A_491 = vector.broadcast %broadcast_in_dim3A_490 : vector<1x1024xi32> to vector<256x1024xi32>
    %eq3A_492 = arith.cmpi eq, %broadcast_in_dim3A_491, %iota3A : vector<256x1024xi32>
    %convert_element_type3A_493 = arith.extui %eq3A_492 : vector<256x1024xi1> to vector<256x1024xi32>
    %convert_element_type3A_494 = arith.sitofp %convert_element_type3A_493 : vector<256x1024xi32> to vector<256x1024xf32>
    %convert_element_type3A_495 = arith.truncf %convert_element_type3A_494 : vector<256x1024xf32> to vector<256x1024xbf16>
    %get3A_496 = arith.constant 0 : index
    %get3A_497 = arith.constant 0 : index
    %get3A_498 = vector.load %arg2[%get3A_496, %get3A_497] : memref<256x128xbf16, #tpu.memory_space<vmem>>, vector<256x128xbf16>
    %dot_general3A_499 = arith.constant dense<0.000000e+00> : vector<128x1024xf32>
    %dot_general3A_500 = tpu.matmul %get3A_498, %convert_element_type3A_495, %dot_general3A_499 {dimension_numbers = #tpu.dot_dimension_numbers<[0], [0], [1], [1], [0, 1, 1, 1], [], []>, transpose_lhs_hint = false} : vector<256x128xbf16>, vector<256x1024xbf16>, vector<128x1024xf32> -> vector<128x1024xf32>
    %slice3A_501 = vector.extract_strided_slice %dot_general3A_500 {offsets = [0, 0], sizes = [64, 1024], strides = [1, 1]} : vector<128x1024xf32> to vector<64x1024xf32>
    %slice3A_502 = vector.extract_strided_slice %dot_general3A_500 {offsets = [64, 0], sizes = [64, 1024], strides = [1, 1]} : vector<128x1024xf32> to vector<64x1024xf32>
    %add3A_503 = arith.addf %slice3A_501, %slice3A_502 : vector<64x1024xf32>
    %swap3A_504 = arith.constant 7 : index
    %swap3A_505 = arith.constant 0 : index
    %swap3A_506 = arith.constant 0 : index
    %swap3A_507 = vector.load %arg3[%swap3A_504, %swap3A_505, %swap3A_506] : memref<26x64x1024xf32, #tpu.memory_space<vmem>>, vector<1x64x1024xf32>
    %swap3A_508 = vector.shape_cast %swap3A_507 : vector<1x64x1024xf32> to vector<64x1024xf32>
    %swap3A_509 = vector.shape_cast %add3A_503 : vector<64x1024xf32> to vector<1x64x1024xf32>
    tpu.vector_store %arg3[%swap3A_504, %swap3A_505, %swap3A_506], %swap3A_509 {strides = array<i32>} : memref<26x64x1024xf32, #tpu.memory_space<vmem>>, vector<1x64x1024xf32>,
    %mul3A_510 = arith.constant 8 : i32
    %mul3A_511 = arith.muli %mul3A_510, %arg0 : i32
    %add3A_512 = arith.constant 256 : i32
    %add3A_513 = arith.addi %add3A_512, %mul3A_511 : i32
    %add3A_514 = arith.constant 0 : i32
    %add3A_515 = arith.addi %add3A_513, %add3A_514 : i32
    %get3A_516 = arith.index_cast %add3A_515 : i32 to index
    %get3A_517 = arith.constant 0 : index
    %get3A_518 = vector.load %arg1[%get3A_516, %get3A_517] : memref<832x128xi32, #tpu.memory_space<vmem>>, vector<1x128xi32>
    %add3A_519 = arith.constant 1 : i32
    %add3A_520 = arith.addi %add3A_513, %add3A_519 : i32
    %get3A_521 = arith.index_cast %add3A_520 : i32 to index
    %get3A_522 = arith.constant 0 : index
    %get3A_523 = vector.load %arg1[%get3A_521, %get3A_522] : memref<832x128xi32, #tpu.memory_space<vmem>>, vector<1x128xi32>
    %add3A_524 = arith.constant 2 : i32
    %add3A_525 = arith.addi %add3A_513, %add3A_524 : i32
    %get3A_526 = arith.index_cast %add3A_525 : i32 to index
    %get3A_527 = arith.constant 0 : index
    %get3A_528 = vector.load %arg1[%get3A_526, %get3A_527] : memref<832x128xi32, #tpu.memory_space<vmem>>, vector<1x128xi32>
    %add3A_529 = arith.constant 3 : i32
    %add3A_530 = arith.addi %add3A_513, %add3A_529 : i32
    %get3A_531 = arith.index_cast %add3A_530 : i32 to index
    %get3A_532 = arith.constant 0 : index
    %get3A_533 = vector.load %arg1[%get3A_531, %get3A_532] : memref<832x128xi32, #tpu.memory_space<vmem>>, vector<1x128xi32>
    %add3A_534 = arith.constant 4 : i32
    %add3A_535 = arith.addi %add3A_513, %add3A_534 : i32
    %get3A_536 = arith.index_cast %add3A_535 : i32 to index
    %get3A_537 = arith.constant 0 : index
    %get3A_538 = vector.load %arg1[%get3A_536, %get3A_537] : memref<832x128xi32, #tpu.memory_space<vmem>>, vector<1x128xi32>
    %add3A_539 = arith.constant 5 : i32
    %add3A_540 = arith.addi %add3A_513, %add3A_539 : i32
    %get3A_541 = arith.index_cast %add3A_540 : i32 to index
    %get3A_542 = arith.constant 0 : index
    %get3A_543 = vector.load %arg1[%get3A_541, %get3A_542] : memref<832x128xi32, #tpu.memory_space<vmem>>, vector<1x128xi32>
    %add3A_544 = arith.constant 6 : i32
    %add3A_545 = arith.addi %add3A_513, %add3A_544 : i32
    %get3A_546 = arith.index_cast %add3A_545 : i32 to index
    %get3A_547 = arith.constant 0 : index
    %get3A_548 = vector.load %arg1[%get3A_546, %get3A_547] : memref<832x128xi32, #tpu.memory_space<vmem>>, vector<1x128xi32>
    %add3A_549 = arith.constant 7 : i32
    %add3A_550 = arith.addi %add3A_513, %add3A_549 : i32
    %get3A_551 = arith.index_cast %add3A_550 : i32 to index
    %get3A_552 = arith.constant 0 : index
    %get3A_553 = vector.load %arg1[%get3A_551, %get3A_552] : memref<832x128xi32, #tpu.memory_space<vmem>>, vector<1x128xi32>
    %concatenate3A_554 = tpu.concatenate %get3A_518, %get3A_523, %get3A_528, %get3A_533, %get3A_538, %get3A_543, %get3A_548, %get3A_553 in 1 : vector<1x128xi32>, vector<1x128xi32>, vector<1x128xi32>, vector<1x128xi32>, vector<1x128xi32>, vector<1x128xi32>, vector<1x128xi32>, vector<1x128xi32> -> vector<1x1024xi32>
    %broadcast_in_dim3A_555 = vector.shape_cast %concatenate3A_554 : vector<1x1024xi32> to vector<1x1024xi32>
    %broadcast_in_dim3A_556 = vector.broadcast %broadcast_in_dim3A_555 : vector<1x1024xi32> to vector<256x1024xi32>
    %eq3A_557 = arith.cmpi eq, %broadcast_in_dim3A_556, %iota3A : vector<256x1024xi32>
    %convert_element_type3A_558 = arith.extui %eq3A_557 : vector<256x1024xi1> to vector<256x1024xi32>
    %convert_element_type3A_559 = arith.sitofp %convert_element_type3A_558 : vector<256x1024xi32> to vector<256x1024xf32>
    %convert_element_type3A_560 = arith.truncf %convert_element_type3A_559 : vector<256x1024xf32> to vector<256x1024xbf16>
    %get3A_561 = arith.constant 0 : index
    %get3A_562 = arith.constant 0 : index
    %get3A_563 = vector.load %arg2[%get3A_561, %get3A_562] : memref<256x128xbf16, #tpu.memory_space<vmem>>, vector<256x128xbf16>
    %dot_general3A_564 = arith.constant dense<0.000000e+00> : vector<128x1024xf32>
    %dot_general3A_565 = tpu.matmul %get3A_563, %convert_element_type3A_560, %dot_general3A_564 {dimension_numbers = #tpu.dot_dimension_numbers<[0], [0], [1], [1], [0, 1, 1, 1], [], []>, transpose_lhs_hint = false} : vector<256x128xbf16>, vector<256x1024xbf16>, vector<128x1024xf32> -> vector<128x1024xf32>
    %slice3A_566 = vector.extract_strided_slice %dot_general3A_565 {offsets = [0, 0], sizes = [64, 1024], strides = [1, 1]} : vector<128x1024xf32> to vector<64x1024xf32>
    %slice3A_567 = vector.extract_strided_slice %dot_general3A_565 {offsets = [64, 0], sizes = [64, 1024], strides = [1, 1]} : vector<128x1024xf32> to vector<64x1024xf32>
    %add3A_568 = arith.addf %slice3A_566, %slice3A_567 : vector<64x1024xf32>
    %swap3A_569 = arith.constant 8 : index
    %swap3A_570 = arith.constant 0 : index
    %swap3A_571 = arith.constant 0 : index
    %swap3A_572 = vector.load %arg3[%swap3A_569, %swap3A_570, %swap3A_571] : memref<26x64x1024xf32, #tpu.memory_space<vmem>>, vector<1x64x1024xf32>
    %swap3A_573 = vector.shape_cast %swap3A_572 : vector<1x64x1024xf32> to vector<64x1024xf32>
    %swap3A_574 = vector.shape_cast %add3A_568 : vector<64x1024xf32> to vector<1x64x1024xf32>
    tpu.vector_store %arg3[%swap3A_569, %swap3A_570, %swap3A_571], %swap3A_574 {strides = array<i32>} : memref<26x64x1024xf32, #tpu.memory_space<vmem>>, vector<1x64x1024xf32>,
    %mul3A_575 = arith.constant 8 : i32
    %mul3A_576 = arith.muli %mul3A_575, %arg0 : i32
    %add3A_577 = arith.constant 288 : i32
    %add3A_578 = arith.addi %add3A_577, %mul3A_576 : i32
    %add3A_579 = arith.constant 0 : i32
    %add3A_580 = arith.addi %add3A_578, %add3A_579 : i32
    %get3A_581 = arith.index_cast %add3A_580 : i32 to index
    %get3A_582 = arith.constant 0 : index
    %get3A_583 = vector.load %arg1[%get3A_581, %get3A_582] : memref<832x128xi32, #tpu.memory_space<vmem>>, vector<1x128xi32>
    %add3A_584 = arith.constant 1 : i32
    %add3A_585 = arith.addi %add3A_578, %add3A_584 : i32
    %get3A_586 = arith.index_cast %add3A_585 : i32 to index
    %get3A_587 = arith.constant 0 : index
    %get3A_588 = vector.load %arg1[%get3A_586, %get3A_587] : memref<832x128xi32, #tpu.memory_space<vmem>>, vector<1x128xi32>
    %add3A_589 = arith.constant 2 : i32
    %add3A_590 = arith.addi %add3A_578, %add3A_589 : i32
    %get3A_591 = arith.index_cast %add3A_590 : i32 to index
    %get3A_592 = arith.constant 0 : index
    %get3A_593 = vector.load %arg1[%get3A_591, %get3A_592] : memref<832x128xi32, #tpu.memory_space<vmem>>, vector<1x128xi32>
    %add3A_594 = arith.constant 3 : i32
    %add3A_595 = arith.addi %add3A_578, %add3A_594 : i32
    %get3A_596 = arith.index_cast %add3A_595 : i32 to index
    %get3A_597 = arith.constant 0 : index
    %get3A_598 = vector.load %arg1[%get3A_596, %get3A_597] : memref<832x128xi32, #tpu.memory_space<vmem>>, vector<1x128xi32>
    %add3A_599 = arith.constant 4 : i32
    %add3A_600 = arith.addi %add3A_578, %add3A_599 : i32
    %get3A_601 = arith.index_cast %add3A_600 : i32 to index
    %get3A_602 = arith.constant 0 : index
    %get3A_603 = vector.load %arg1[%get3A_601, %get3A_602] : memref<832x128xi32, #tpu.memory_space<vmem>>, vector<1x128xi32>
    %add3A_604 = arith.constant 5 : i32
    %add3A_605 = arith.addi %add3A_578, %add3A_604 : i32
    %get3A_606 = arith.index_cast %add3A_605 : i32 to index
    %get3A_607 = arith.constant 0 : index
    %get3A_608 = vector.load %arg1[%get3A_606, %get3A_607] : memref<832x128xi32, #tpu.memory_space<vmem>>, vector<1x128xi32>
    %add3A_609 = arith.constant 6 : i32
    %add3A_610 = arith.addi %add3A_578, %add3A_609 : i32
    %get3A_611 = arith.index_cast %add3A_610 : i32 to index
    %get3A_612 = arith.constant 0 : index
    %get3A_613 = vector.load %arg1[%get3A_611, %get3A_612] : memref<832x128xi32, #tpu.memory_space<vmem>>, vector<1x128xi32>
    %add3A_614 = arith.constant 7 : i32
    %add3A_615 = arith.addi %add3A_578, %add3A_614 : i32
    %get3A_616 = arith.index_cast %add3A_615 : i32 to index
    %get3A_617 = arith.constant 0 : index
    %get3A_618 = vector.load %arg1[%get3A_616, %get3A_617] : memref<832x128xi32, #tpu.memory_space<vmem>>, vector<1x128xi32>
    %concatenate3A_619 = tpu.concatenate %get3A_583, %get3A_588, %get3A_593, %get3A_598, %get3A_603, %get3A_608, %get3A_613, %get3A_618 in 1 : vector<1x128xi32>, vector<1x128xi32>, vector<1x128xi32>, vector<1x128xi32>, vector<1x128xi32>, vector<1x128xi32>, vector<1x128xi32>, vector<1x128xi32> -> vector<1x1024xi32>
    %broadcast_in_dim3A_620 = vector.shape_cast %concatenate3A_619 : vector<1x1024xi32> to vector<1x1024xi32>
    %broadcast_in_dim3A_621 = vector.broadcast %broadcast_in_dim3A_620 : vector<1x1024xi32> to vector<256x1024xi32>
    %eq3A_622 = arith.cmpi eq, %broadcast_in_dim3A_621, %iota3A : vector<256x1024xi32>
    %convert_element_type3A_623 = arith.extui %eq3A_622 : vector<256x1024xi1> to vector<256x1024xi32>
    %convert_element_type3A_624 = arith.sitofp %convert_element_type3A_623 : vector<256x1024xi32> to vector<256x1024xf32>
    %convert_element_type3A_625 = arith.truncf %convert_element_type3A_624 : vector<256x1024xf32> to vector<256x1024xbf16>
    %get3A_626 = arith.constant 0 : index
    %get3A_627 = arith.constant 0 : index
    %get3A_628 = vector.load %arg2[%get3A_626, %get3A_627] : memref<256x128xbf16, #tpu.memory_space<vmem>>, vector<256x128xbf16>
    %dot_general3A_629 = arith.constant dense<0.000000e+00> : vector<128x1024xf32>
    %dot_general3A_630 = tpu.matmul %get3A_628, %convert_element_type3A_625, %dot_general3A_629 {dimension_numbers = #tpu.dot_dimension_numbers<[0], [0], [1], [1], [0, 1, 1, 1], [], []>, transpose_lhs_hint = false} : vector<256x128xbf16>, vector<256x1024xbf16>, vector<128x1024xf32> -> vector<128x1024xf32>
    %slice3A_631 = vector.extract_strided_slice %dot_general3A_630 {offsets = [0, 0], sizes = [64, 1024], strides = [1, 1]} : vector<128x1024xf32> to vector<64x1024xf32>
    %slice3A_632 = vector.extract_strided_slice %dot_general3A_630 {offsets = [64, 0], sizes = [64, 1024], strides = [1, 1]} : vector<128x1024xf32> to vector<64x1024xf32>
    %add3A_633 = arith.addf %slice3A_631, %slice3A_632 : vector<64x1024xf32>
    %swap3A_634 = arith.constant 9 : index
    %swap3A_635 = arith.constant 0 : index
    %swap3A_636 = arith.constant 0 : index
    %swap3A_637 = vector.load %arg3[%swap3A_634, %swap3A_635, %swap3A_636] : memref<26x64x1024xf32, #tpu.memory_space<vmem>>, vector<1x64x1024xf32>
    %swap3A_638 = vector.shape_cast %swap3A_637 : vector<1x64x1024xf32> to vector<64x1024xf32>
    %swap3A_639 = vector.shape_cast %add3A_633 : vector<64x1024xf32> to vector<1x64x1024xf32>
    tpu.vector_store %arg3[%swap3A_634, %swap3A_635, %swap3A_636], %swap3A_639 {strides = array<i32>} : memref<26x64x1024xf32, #tpu.memory_space<vmem>>, vector<1x64x1024xf32>,
    %mul3A_640 = arith.constant 8 : i32
    %mul3A_641 = arith.muli %mul3A_640, %arg0 : i32
    %add3A_642 = arith.constant 320 : i32
    %add3A_643 = arith.addi %add3A_642, %mul3A_641 : i32
    %add3A_644 = arith.constant 0 : i32
    %add3A_645 = arith.addi %add3A_643, %add3A_644 : i32
    %get3A_646 = arith.index_cast %add3A_645 : i32 to index
    %get3A_647 = arith.constant 0 : index
    %get3A_648 = vector.load %arg1[%get3A_646, %get3A_647] : memref<832x128xi32, #tpu.memory_space<vmem>>, vector<1x128xi32>
    %add3A_649 = arith.constant 1 : i32
    %add3A_650 = arith.addi %add3A_643, %add3A_649 : i32
    %get3A_651 = arith.index_cast %add3A_650 : i32 to index
    %get3A_652 = arith.constant 0 : index
    %get3A_653 = vector.load %arg1[%get3A_651, %get3A_652] : memref<832x128xi32, #tpu.memory_space<vmem>>, vector<1x128xi32>
    %add3A_654 = arith.constant 2 : i32
    %add3A_655 = arith.addi %add3A_643, %add3A_654 : i32
    %get3A_656 = arith.index_cast %add3A_655 : i32 to index
    %get3A_657 = arith.constant 0 : index
    %get3A_658 = vector.load %arg1[%get3A_656, %get3A_657] : memref<832x128xi32, #tpu.memory_space<vmem>>, vector<1x128xi32>
    %add3A_659 = arith.constant 3 : i32
    %add3A_660 = arith.addi %add3A_643, %add3A_659 : i32
    %get3A_661 = arith.index_cast %add3A_660 : i32 to index
    %get3A_662 = arith.constant 0 : index
    %get3A_663 = vector.load %arg1[%get3A_661, %get3A_662] : memref<832x128xi32, #tpu.memory_space<vmem>>, vector<1x128xi32>
    %add3A_664 = arith.constant 4 : i32
    %add3A_665 = arith.addi %add3A_643, %add3A_664 : i32
    %get3A_666 = arith.index_cast %add3A_665 : i32 to index
    %get3A_667 = arith.constant 0 : index
    %get3A_668 = vector.load %arg1[%get3A_666, %get3A_667] : memref<832x128xi32, #tpu.memory_space<vmem>>, vector<1x128xi32>
    %add3A_669 = arith.constant 5 : i32
    %add3A_670 = arith.addi %add3A_643, %add3A_669 : i32
    %get3A_671 = arith.index_cast %add3A_670 : i32 to index
    %get3A_672 = arith.constant 0 : index
    %get3A_673 = vector.load %arg1[%get3A_671, %get3A_672] : memref<832x128xi32, #tpu.memory_space<vmem>>, vector<1x128xi32>
    %add3A_674 = arith.constant 6 : i32
    %add3A_675 = arith.addi %add3A_643, %add3A_674 : i32
    %get3A_676 = arith.index_cast %add3A_675 : i32 to index
    %get3A_677 = arith.constant 0 : index
    %get3A_678 = vector.load %arg1[%get3A_676, %get3A_677] : memref<832x128xi32, #tpu.memory_space<vmem>>, vector<1x128xi32>
    %add3A_679 = arith.constant 7 : i32
    %add3A_680 = arith.addi %add3A_643, %add3A_679 : i32
    %get3A_681 = arith.index_cast %add3A_680 : i32 to index
    %get3A_682 = arith.constant 0 : index
    %get3A_683 = vector.load %arg1[%get3A_681, %get3A_682] : memref<832x128xi32, #tpu.memory_space<vmem>>, vector<1x128xi32>
    %concatenate3A_684 = tpu.concatenate %get3A_648, %get3A_653, %get3A_658, %get3A_663, %get3A_668, %get3A_673, %get3A_678, %get3A_683 in 1 : vector<1x128xi32>, vector<1x128xi32>, vector<1x128xi32>, vector<1x128xi32>, vector<1x128xi32>, vector<1x128xi32>, vector<1x128xi32>, vector<1x128xi32> -> vector<1x1024xi32>
    %broadcast_in_dim3A_685 = vector.shape_cast %concatenate3A_684 : vector<1x1024xi32> to vector<1x1024xi32>
    %broadcast_in_dim3A_686 = vector.broadcast %broadcast_in_dim3A_685 : vector<1x1024xi32> to vector<256x1024xi32>
    %eq3A_687 = arith.cmpi eq, %broadcast_in_dim3A_686, %iota3A : vector<256x1024xi32>
    %convert_element_type3A_688 = arith.extui %eq3A_687 : vector<256x1024xi1> to vector<256x1024xi32>
    %convert_element_type3A_689 = arith.sitofp %convert_element_type3A_688 : vector<256x1024xi32> to vector<256x1024xf32>
    %convert_element_type3A_690 = arith.truncf %convert_element_type3A_689 : vector<256x1024xf32> to vector<256x1024xbf16>
    %get3A_691 = arith.constant 0 : index
    %get3A_692 = arith.constant 0 : index
    %get3A_693 = vector.load %arg2[%get3A_691, %get3A_692] : memref<256x128xbf16, #tpu.memory_space<vmem>>, vector<256x128xbf16>
    %dot_general3A_694 = arith.constant dense<0.000000e+00> : vector<128x1024xf32>
    %dot_general3A_695 = tpu.matmul %get3A_693, %convert_element_type3A_690, %dot_general3A_694 {dimension_numbers = #tpu.dot_dimension_numbers<[0], [0], [1], [1], [0, 1, 1, 1], [], []>, transpose_lhs_hint = false} : vector<256x128xbf16>, vector<256x1024xbf16>, vector<128x1024xf32> -> vector<128x1024xf32>
    %slice3A_696 = vector.extract_strided_slice %dot_general3A_695 {offsets = [0, 0], sizes = [64, 1024], strides = [1, 1]} : vector<128x1024xf32> to vector<64x1024xf32>
    %slice3A_697 = vector.extract_strided_slice %dot_general3A_695 {offsets = [64, 0], sizes = [64, 1024], strides = [1, 1]} : vector<128x1024xf32> to vector<64x1024xf32>
    %add3A_698 = arith.addf %slice3A_696, %slice3A_697 : vector<64x1024xf32>
    %swap3A_699 = arith.constant 10 : index
    %swap3A_700 = arith.constant 0 : index
    %swap3A_701 = arith.constant 0 : index
    %swap3A_702 = vector.load %arg3[%swap3A_699, %swap3A_700, %swap3A_701] : memref<26x64x1024xf32, #tpu.memory_space<vmem>>, vector<1x64x1024xf32>
    %swap3A_703 = vector.shape_cast %swap3A_702 : vector<1x64x1024xf32> to vector<64x1024xf32>
    %swap3A_704 = vector.shape_cast %add3A_698 : vector<64x1024xf32> to vector<1x64x1024xf32>
    tpu.vector_store %arg3[%swap3A_699, %swap3A_700, %swap3A_701], %swap3A_704 {strides = array<i32>} : memref<26x64x1024xf32, #tpu.memory_space<vmem>>, vector<1x64x1024xf32>,
    %mul3A_705 = arith.constant 8 : i32
    %mul3A_706 = arith.muli %mul3A_705, %arg0 : i32
    %add3A_707 = arith.constant 352 : i32
    %add3A_708 = arith.addi %add3A_707, %mul3A_706 : i32
    %add3A_709 = arith.constant 0 : i32
    %add3A_710 = arith.addi %add3A_708, %add3A_709 : i32
    %get3A_711 = arith.index_cast %add3A_710 : i32 to index
    %get3A_712 = arith.constant 0 : index
    %get3A_713 = vector.load %arg1[%get3A_711, %get3A_712] : memref<832x128xi32, #tpu.memory_space<vmem>>, vector<1x128xi32>
    %add3A_714 = arith.constant 1 : i32
    %add3A_715 = arith.addi %add3A_708, %add3A_714 : i32
    %get3A_716 = arith.index_cast %add3A_715 : i32 to index
    %get3A_717 = arith.constant 0 : index
    %get3A_718 = vector.load %arg1[%get3A_716, %get3A_717] : memref<832x128xi32, #tpu.memory_space<vmem>>, vector<1x128xi32>
    %add3A_719 = arith.constant 2 : i32
    %add3A_720 = arith.addi %add3A_708, %add3A_719 : i32
    %get3A_721 = arith.index_cast %add3A_720 : i32 to index
    %get3A_722 = arith.constant 0 : index
    %get3A_723 = vector.load %arg1[%get3A_721, %get3A_722] : memref<832x128xi32, #tpu.memory_space<vmem>>, vector<1x128xi32>
    %add3A_724 = arith.constant 3 : i32
    %add3A_725 = arith.addi %add3A_708, %add3A_724 : i32
    %get3A_726 = arith.index_cast %add3A_725 : i32 to index
    %get3A_727 = arith.constant 0 : index
    %get3A_728 = vector.load %arg1[%get3A_726, %get3A_727] : memref<832x128xi32, #tpu.memory_space<vmem>>, vector<1x128xi32>
    %add3A_729 = arith.constant 4 : i32
    %add3A_730 = arith.addi %add3A_708, %add3A_729 : i32
    %get3A_731 = arith.index_cast %add3A_730 : i32 to index
    %get3A_732 = arith.constant 0 : index
    %get3A_733 = vector.load %arg1[%get3A_731, %get3A_732] : memref<832x128xi32, #tpu.memory_space<vmem>>, vector<1x128xi32>
    %add3A_734 = arith.constant 5 : i32
    %add3A_735 = arith.addi %add3A_708, %add3A_734 : i32
    %get3A_736 = arith.index_cast %add3A_735 : i32 to index
    %get3A_737 = arith.constant 0 : index
    %get3A_738 = vector.load %arg1[%get3A_736, %get3A_737] : memref<832x128xi32, #tpu.memory_space<vmem>>, vector<1x128xi32>
    %add3A_739 = arith.constant 6 : i32
    %add3A_740 = arith.addi %add3A_708, %add3A_739 : i32
    %get3A_741 = arith.index_cast %add3A_740 : i32 to index
    %get3A_742 = arith.constant 0 : index
    %get3A_743 = vector.load %arg1[%get3A_741, %get3A_742] : memref<832x128xi32, #tpu.memory_space<vmem>>, vector<1x128xi32>
    %add3A_744 = arith.constant 7 : i32
    %add3A_745 = arith.addi %add3A_708, %add3A_744 : i32
    %get3A_746 = arith.index_cast %add3A_745 : i32 to index
    %get3A_747 = arith.constant 0 : index
    %get3A_748 = vector.load %arg1[%get3A_746, %get3A_747] : memref<832x128xi32, #tpu.memory_space<vmem>>, vector<1x128xi32>
    %concatenate3A_749 = tpu.concatenate %get3A_713, %get3A_718, %get3A_723, %get3A_728, %get3A_733, %get3A_738, %get3A_743, %get3A_748 in 1 : vector<1x128xi32>, vector<1x128xi32>, vector<1x128xi32>, vector<1x128xi32>, vector<1x128xi32>, vector<1x128xi32>, vector<1x128xi32>, vector<1x128xi32> -> vector<1x1024xi32>
    %broadcast_in_dim3A_750 = vector.shape_cast %concatenate3A_749 : vector<1x1024xi32> to vector<1x1024xi32>
    %broadcast_in_dim3A_751 = vector.broadcast %broadcast_in_dim3A_750 : vector<1x1024xi32> to vector<256x1024xi32>
    %eq3A_752 = arith.cmpi eq, %broadcast_in_dim3A_751, %iota3A : vector<256x1024xi32>
    %convert_element_type3A_753 = arith.extui %eq3A_752 : vector<256x1024xi1> to vector<256x1024xi32>
    %convert_element_type3A_754 = arith.sitofp %convert_element_type3A_753 : vector<256x1024xi32> to vector<256x1024xf32>
    %convert_element_type3A_755 = arith.truncf %convert_element_type3A_754 : vector<256x1024xf32> to vector<256x1024xbf16>
    %get3A_756 = arith.constant 0 : index
    %get3A_757 = arith.constant 0 : index
    %get3A_758 = vector.load %arg2[%get3A_756, %get3A_757] : memref<256x128xbf16, #tpu.memory_space<vmem>>, vector<256x128xbf16>
    %dot_general3A_759 = arith.constant dense<0.000000e+00> : vector<128x1024xf32>
    %dot_general3A_760 = tpu.matmul %get3A_758, %convert_element_type3A_755, %dot_general3A_759 {dimension_numbers = #tpu.dot_dimension_numbers<[0], [0], [1], [1], [0, 1, 1, 1], [], []>, transpose_lhs_hint = false} : vector<256x128xbf16>, vector<256x1024xbf16>, vector<128x1024xf32> -> vector<128x1024xf32>
    %slice3A_761 = vector.extract_strided_slice %dot_general3A_760 {offsets = [0, 0], sizes = [64, 1024], strides = [1, 1]} : vector<128x1024xf32> to vector<64x1024xf32>
    %slice3A_762 = vector.extract_strided_slice %dot_general3A_760 {offsets = [64, 0], sizes = [64, 1024], strides = [1, 1]} : vector<128x1024xf32> to vector<64x1024xf32>
    %add3A_763 = arith.addf %slice3A_761, %slice3A_762 : vector<64x1024xf32>
    %swap3A_764 = arith.constant 11 : index
    %swap3A_765 = arith.constant 0 : index
    %swap3A_766 = arith.constant 0 : index
    %swap3A_767 = vector.load %arg3[%swap3A_764, %swap3A_765, %swap3A_766] : memref<26x64x1024xf32, #tpu.memory_space<vmem>>, vector<1x64x1024xf32>
    %swap3A_768 = vector.shape_cast %swap3A_767 : vector<1x64x1024xf32> to vector<64x1024xf32>
    %swap3A_769 = vector.shape_cast %add3A_763 : vector<64x1024xf32> to vector<1x64x1024xf32>
    tpu.vector_store %arg3[%swap3A_764, %swap3A_765, %swap3A_766], %swap3A_769 {strides = array<i32>} : memref<26x64x1024xf32, #tpu.memory_space<vmem>>, vector<1x64x1024xf32>,
    %mul3A_770 = arith.constant 8 : i32
    %mul3A_771 = arith.muli %mul3A_770, %arg0 : i32
    %add3A_772 = arith.constant 384 : i32
    %add3A_773 = arith.addi %add3A_772, %mul3A_771 : i32
    %add3A_774 = arith.constant 0 : i32
    %add3A_775 = arith.addi %add3A_773, %add3A_774 : i32
    %get3A_776 = arith.index_cast %add3A_775 : i32 to index
    %get3A_777 = arith.constant 0 : index
    %get3A_778 = vector.load %arg1[%get3A_776, %get3A_777] : memref<832x128xi32, #tpu.memory_space<vmem>>, vector<1x128xi32>
    %add3A_779 = arith.constant 1 : i32
    %add3A_780 = arith.addi %add3A_773, %add3A_779 : i32
    %get3A_781 = arith.index_cast %add3A_780 : i32 to index
    %get3A_782 = arith.constant 0 : index
    %get3A_783 = vector.load %arg1[%get3A_781, %get3A_782] : memref<832x128xi32, #tpu.memory_space<vmem>>, vector<1x128xi32>
    %add3A_784 = arith.constant 2 : i32
    %add3A_785 = arith.addi %add3A_773, %add3A_784 : i32
    %get3A_786 = arith.index_cast %add3A_785 : i32 to index
    %get3A_787 = arith.constant 0 : index
    %get3A_788 = vector.load %arg1[%get3A_786, %get3A_787] : memref<832x128xi32, #tpu.memory_space<vmem>>, vector<1x128xi32>
    %add3A_789 = arith.constant 3 : i32
    %add3A_790 = arith.addi %add3A_773, %add3A_789 : i32
    %get3A_791 = arith.index_cast %add3A_790 : i32 to index
    %get3A_792 = arith.constant 0 : index
    %get3A_793 = vector.load %arg1[%get3A_791, %get3A_792] : memref<832x128xi32, #tpu.memory_space<vmem>>, vector<1x128xi32>
    %add3A_794 = arith.constant 4 : i32
    %add3A_795 = arith.addi %add3A_773, %add3A_794 : i32
    %get3A_796 = arith.index_cast %add3A_795 : i32 to index
    %get3A_797 = arith.constant 0 : index
    %get3A_798 = vector.load %arg1[%get3A_796, %get3A_797] : memref<832x128xi32, #tpu.memory_space<vmem>>, vector<1x128xi32>
    %add3A_799 = arith.constant 5 : i32
    %add3A_800 = arith.addi %add3A_773, %add3A_799 : i32
    %get3A_801 = arith.index_cast %add3A_800 : i32 to index
    %get3A_802 = arith.constant 0 : index
    %get3A_803 = vector.load %arg1[%get3A_801, %get3A_802] : memref<832x128xi32, #tpu.memory_space<vmem>>, vector<1x128xi32>
    %add3A_804 = arith.constant 6 : i32
    %add3A_805 = arith.addi %add3A_773, %add3A_804 : i32
    %get3A_806 = arith.index_cast %add3A_805 : i32 to index
    %get3A_807 = arith.constant 0 : index
    %get3A_808 = vector.load %arg1[%get3A_806, %get3A_807] : memref<832x128xi32, #tpu.memory_space<vmem>>, vector<1x128xi32>
    %add3A_809 = arith.constant 7 : i32
    %add3A_810 = arith.addi %add3A_773, %add3A_809 : i32
    %get3A_811 = arith.index_cast %add3A_810 : i32 to index
    %get3A_812 = arith.constant 0 : index
    %get3A_813 = vector.load %arg1[%get3A_811, %get3A_812] : memref<832x128xi32, #tpu.memory_space<vmem>>, vector<1x128xi32>
    %concatenate3A_814 = tpu.concatenate %get3A_778, %get3A_783, %get3A_788, %get3A_793, %get3A_798, %get3A_803, %get3A_808, %get3A_813 in 1 : vector<1x128xi32>, vector<1x128xi32>, vector<1x128xi32>, vector<1x128xi32>, vector<1x128xi32>, vector<1x128xi32>, vector<1x128xi32>, vector<1x128xi32> -> vector<1x1024xi32>
    %broadcast_in_dim3A_815 = vector.shape_cast %concatenate3A_814 : vector<1x1024xi32> to vector<1x1024xi32>
    %broadcast_in_dim3A_816 = vector.broadcast %broadcast_in_dim3A_815 : vector<1x1024xi32> to vector<256x1024xi32>
    %eq3A_817 = arith.cmpi eq, %broadcast_in_dim3A_816, %iota3A : vector<256x1024xi32>
    %convert_element_type3A_818 = arith.extui %eq3A_817 : vector<256x1024xi1> to vector<256x1024xi32>
    %convert_element_type3A_819 = arith.sitofp %convert_element_type3A_818 : vector<256x1024xi32> to vector<256x1024xf32>
    %convert_element_type3A_820 = arith.truncf %convert_element_type3A_819 : vector<256x1024xf32> to vector<256x1024xbf16>
    %get3A_821 = arith.constant 0 : index
    %get3A_822 = arith.constant 0 : index
    %get3A_823 = vector.load %arg2[%get3A_821, %get3A_822] : memref<256x128xbf16, #tpu.memory_space<vmem>>, vector<256x128xbf16>
    %dot_general3A_824 = arith.constant dense<0.000000e+00> : vector<128x1024xf32>
    %dot_general3A_825 = tpu.matmul %get3A_823, %convert_element_type3A_820, %dot_general3A_824 {dimension_numbers = #tpu.dot_dimension_numbers<[0], [0], [1], [1], [0, 1, 1, 1], [], []>, transpose_lhs_hint = false} : vector<256x128xbf16>, vector<256x1024xbf16>, vector<128x1024xf32> -> vector<128x1024xf32>
    %slice3A_826 = vector.extract_strided_slice %dot_general3A_825 {offsets = [0, 0], sizes = [64, 1024], strides = [1, 1]} : vector<128x1024xf32> to vector<64x1024xf32>
    %slice3A_827 = vector.extract_strided_slice %dot_general3A_825 {offsets = [64, 0], sizes = [64, 1024], strides = [1, 1]} : vector<128x1024xf32> to vector<64x1024xf32>
    %add3A_828 = arith.addf %slice3A_826, %slice3A_827 : vector<64x1024xf32>
    %swap3A_829 = arith.constant 12 : index
    %swap3A_830 = arith.constant 0 : index
    %swap3A_831 = arith.constant 0 : index
    %swap3A_832 = vector.load %arg3[%swap3A_829, %swap3A_830, %swap3A_831] : memref<26x64x1024xf32, #tpu.memory_space<vmem>>, vector<1x64x1024xf32>
    %swap3A_833 = vector.shape_cast %swap3A_832 : vector<1x64x1024xf32> to vector<64x1024xf32>
    %swap3A_834 = vector.shape_cast %add3A_828 : vector<64x1024xf32> to vector<1x64x1024xf32>
    tpu.vector_store %arg3[%swap3A_829, %swap3A_830, %swap3A_831], %swap3A_834 {strides = array<i32>} : memref<26x64x1024xf32, #tpu.memory_space<vmem>>, vector<1x64x1024xf32>,
    %mul3A_835 = arith.constant 8 : i32
    %mul3A_836 = arith.muli %mul3A_835, %arg0 : i32
    %add3A_837 = arith.constant 416 : i32
    %add3A_838 = arith.addi %add3A_837, %mul3A_836 : i32
    %add3A_839 = arith.constant 0 : i32
    %add3A_840 = arith.addi %add3A_838, %add3A_839 : i32
    %get3A_841 = arith.index_cast %add3A_840 : i32 to index
    %get3A_842 = arith.constant 0 : index
    %get3A_843 = vector.load %arg1[%get3A_841, %get3A_842] : memref<832x128xi32, #tpu.memory_space<vmem>>, vector<1x128xi32>
    %add3A_844 = arith.constant 1 : i32
    %add3A_845 = arith.addi %add3A_838, %add3A_844 : i32
    %get3A_846 = arith.index_cast %add3A_845 : i32 to index
    %get3A_847 = arith.constant 0 : index
    %get3A_848 = vector.load %arg1[%get3A_846, %get3A_847] : memref<832x128xi32, #tpu.memory_space<vmem>>, vector<1x128xi32>
    %add3A_849 = arith.constant 2 : i32
    %add3A_850 = arith.addi %add3A_838, %add3A_849 : i32
    %get3A_851 = arith.index_cast %add3A_850 : i32 to index
    %get3A_852 = arith.constant 0 : index
    %get3A_853 = vector.load %arg1[%get3A_851, %get3A_852] : memref<832x128xi32, #tpu.memory_space<vmem>>, vector<1x128xi32>
    %add3A_854 = arith.constant 3 : i32
    %add3A_855 = arith.addi %add3A_838, %add3A_854 : i32
    %get3A_856 = arith.index_cast %add3A_855 : i32 to index
    %get3A_857 = arith.constant 0 : index
    %get3A_858 = vector.load %arg1[%get3A_856, %get3A_857] : memref<832x128xi32, #tpu.memory_space<vmem>>, vector<1x128xi32>
    %add3A_859 = arith.constant 4 : i32
    %add3A_860 = arith.addi %add3A_838, %add3A_859 : i32
    %get3A_861 = arith.index_cast %add3A_860 : i32 to index
    %get3A_862 = arith.constant 0 : index
    %get3A_863 = vector.load %arg1[%get3A_861, %get3A_862] : memref<832x128xi32, #tpu.memory_space<vmem>>, vector<1x128xi32>
    %add3A_864 = arith.constant 5 : i32
    %add3A_865 = arith.addi %add3A_838, %add3A_864 : i32
    %get3A_866 = arith.index_cast %add3A_865 : i32 to index
    %get3A_867 = arith.constant 0 : index
    %get3A_868 = vector.load %arg1[%get3A_866, %get3A_867] : memref<832x128xi32, #tpu.memory_space<vmem>>, vector<1x128xi32>
    %add3A_869 = arith.constant 6 : i32
    %add3A_870 = arith.addi %add3A_838, %add3A_869 : i32
    %get3A_871 = arith.index_cast %add3A_870 : i32 to index
    %get3A_872 = arith.constant 0 : index
    %get3A_873 = vector.load %arg1[%get3A_871, %get3A_872] : memref<832x128xi32, #tpu.memory_space<vmem>>, vector<1x128xi32>
    %add3A_874 = arith.constant 7 : i32
    %add3A_875 = arith.addi %add3A_838, %add3A_874 : i32
    %get3A_876 = arith.index_cast %add3A_875 : i32 to index
    %get3A_877 = arith.constant 0 : index
    %get3A_878 = vector.load %arg1[%get3A_876, %get3A_877] : memref<832x128xi32, #tpu.memory_space<vmem>>, vector<1x128xi32>
    %concatenate3A_879 = tpu.concatenate %get3A_843, %get3A_848, %get3A_853, %get3A_858, %get3A_863, %get3A_868, %get3A_873, %get3A_878 in 1 : vector<1x128xi32>, vector<1x128xi32>, vector<1x128xi32>, vector<1x128xi32>, vector<1x128xi32>, vector<1x128xi32>, vector<1x128xi32>, vector<1x128xi32> -> vector<1x1024xi32>
    %broadcast_in_dim3A_880 = vector.shape_cast %concatenate3A_879 : vector<1x1024xi32> to vector<1x1024xi32>
    %broadcast_in_dim3A_881 = vector.broadcast %broadcast_in_dim3A_880 : vector<1x1024xi32> to vector<256x1024xi32>
    %eq3A_882 = arith.cmpi eq, %broadcast_in_dim3A_881, %iota3A : vector<256x1024xi32>
    %convert_element_type3A_883 = arith.extui %eq3A_882 : vector<256x1024xi1> to vector<256x1024xi32>
    %convert_element_type3A_884 = arith.sitofp %convert_element_type3A_883 : vector<256x1024xi32> to vector<256x1024xf32>
    %convert_element_type3A_885 = arith.truncf %convert_element_type3A_884 : vector<256x1024xf32> to vector<256x1024xbf16>
    %get3A_886 = arith.constant 0 : index
    %get3A_887 = arith.constant 0 : index
    %get3A_888 = vector.load %arg2[%get3A_886, %get3A_887] : memref<256x128xbf16, #tpu.memory_space<vmem>>, vector<256x128xbf16>
    %dot_general3A_889 = arith.constant dense<0.000000e+00> : vector<128x1024xf32>
    %dot_general3A_890 = tpu.matmul %get3A_888, %convert_element_type3A_885, %dot_general3A_889 {dimension_numbers = #tpu.dot_dimension_numbers<[0], [0], [1], [1], [0, 1, 1, 1], [], []>, transpose_lhs_hint = false} : vector<256x128xbf16>, vector<256x1024xbf16>, vector<128x1024xf32> -> vector<128x1024xf32>
    %slice3A_891 = vector.extract_strided_slice %dot_general3A_890 {offsets = [0, 0], sizes = [64, 1024], strides = [1, 1]} : vector<128x1024xf32> to vector<64x1024xf32>
    %slice3A_892 = vector.extract_strided_slice %dot_general3A_890 {offsets = [64, 0], sizes = [64, 1024], strides = [1, 1]} : vector<128x1024xf32> to vector<64x1024xf32>
    %add3A_893 = arith.addf %slice3A_891, %slice3A_892 : vector<64x1024xf32>
    %swap3A_894 = arith.constant 13 : index
    %swap3A_895 = arith.constant 0 : index
    %swap3A_896 = arith.constant 0 : index
    %swap3A_897 = vector.load %arg3[%swap3A_894, %swap3A_895, %swap3A_896] : memref<26x64x1024xf32, #tpu.memory_space<vmem>>, vector<1x64x1024xf32>
    %swap3A_898 = vector.shape_cast %swap3A_897 : vector<1x64x1024xf32> to vector<64x1024xf32>
    %swap3A_899 = vector.shape_cast %add3A_893 : vector<64x1024xf32> to vector<1x64x1024xf32>
    tpu.vector_store %arg3[%swap3A_894, %swap3A_895, %swap3A_896], %swap3A_899 {strides = array<i32>} : memref<26x64x1024xf32, #tpu.memory_space<vmem>>, vector<1x64x1024xf32>,
    %mul3A_900 = arith.constant 8 : i32
    %mul3A_901 = arith.muli %mul3A_900, %arg0 : i32
    %add3A_902 = arith.constant 448 : i32
    %add3A_903 = arith.addi %add3A_902, %mul3A_901 : i32
    %add3A_904 = arith.constant 0 : i32
    %add3A_905 = arith.addi %add3A_903, %add3A_904 : i32
    %get3A_906 = arith.index_cast %add3A_905 : i32 to index
    %get3A_907 = arith.constant 0 : index
    %get3A_908 = vector.load %arg1[%get3A_906, %get3A_907] : memref<832x128xi32, #tpu.memory_space<vmem>>, vector<1x128xi32>
    %add3A_909 = arith.constant 1 : i32
    %add3A_910 = arith.addi %add3A_903, %add3A_909 : i32
    %get3A_911 = arith.index_cast %add3A_910 : i32 to index
    %get3A_912 = arith.constant 0 : index
    %get3A_913 = vector.load %arg1[%get3A_911, %get3A_912] : memref<832x128xi32, #tpu.memory_space<vmem>>, vector<1x128xi32>
    %add3A_914 = arith.constant 2 : i32
    %add3A_915 = arith.addi %add3A_903, %add3A_914 : i32
    %get3A_916 = arith.index_cast %add3A_915 : i32 to index
    %get3A_917 = arith.constant 0 : index
    %get3A_918 = vector.load %arg1[%get3A_916, %get3A_917] : memref<832x128xi32, #tpu.memory_space<vmem>>, vector<1x128xi32>
    %add3A_919 = arith.constant 3 : i32
    %add3A_920 = arith.addi %add3A_903, %add3A_919 : i32
    %get3A_921 = arith.index_cast %add3A_920 : i32 to index
    %get3A_922 = arith.constant 0 : index
    %get3A_923 = vector.load %arg1[%get3A_921, %get3A_922] : memref<832x128xi32, #tpu.memory_space<vmem>>, vector<1x128xi32>
    %add3A_924 = arith.constant 4 : i32
    %add3A_925 = arith.addi %add3A_903, %add3A_924 : i32
    %get3A_926 = arith.index_cast %add3A_925 : i32 to index
    %get3A_927 = arith.constant 0 : index
    %get3A_928 = vector.load %arg1[%get3A_926, %get3A_927] : memref<832x128xi32, #tpu.memory_space<vmem>>, vector<1x128xi32>
    %add3A_929 = arith.constant 5 : i32
    %add3A_930 = arith.addi %add3A_903, %add3A_929 : i32
    %get3A_931 = arith.index_cast %add3A_930 : i32 to index
    %get3A_932 = arith.constant 0 : index
    %get3A_933 = vector.load %arg1[%get3A_931, %get3A_932] : memref<832x128xi32, #tpu.memory_space<vmem>>, vector<1x128xi32>
    %add3A_934 = arith.constant 6 : i32
    %add3A_935 = arith.addi %add3A_903, %add3A_934 : i32
    %get3A_936 = arith.index_cast %add3A_935 : i32 to index
    %get3A_937 = arith.constant 0 : index
    %get3A_938 = vector.load %arg1[%get3A_936, %get3A_937] : memref<832x128xi32, #tpu.memory_space<vmem>>, vector<1x128xi32>
    %add3A_939 = arith.constant 7 : i32
    %add3A_940 = arith.addi %add3A_903, %add3A_939 : i32
    %get3A_941 = arith.index_cast %add3A_940 : i32 to index
    %get3A_942 = arith.constant 0 : index
    %get3A_943 = vector.load %arg1[%get3A_941, %get3A_942] : memref<832x128xi32, #tpu.memory_space<vmem>>, vector<1x128xi32>
    %concatenate3A_944 = tpu.concatenate %get3A_908, %get3A_913, %get3A_918, %get3A_923, %get3A_928, %get3A_933, %get3A_938, %get3A_943 in 1 : vector<1x128xi32>, vector<1x128xi32>, vector<1x128xi32>, vector<1x128xi32>, vector<1x128xi32>, vector<1x128xi32>, vector<1x128xi32>, vector<1x128xi32> -> vector<1x1024xi32>
    %broadcast_in_dim3A_945 = vector.shape_cast %concatenate3A_944 : vector<1x1024xi32> to vector<1x1024xi32>
    %broadcast_in_dim3A_946 = vector.broadcast %broadcast_in_dim3A_945 : vector<1x1024xi32> to vector<256x1024xi32>
    %eq3A_947 = arith.cmpi eq, %broadcast_in_dim3A_946, %iota3A : vector<256x1024xi32>
    %convert_element_type3A_948 = arith.extui %eq3A_947 : vector<256x1024xi1> to vector<256x1024xi32>
    %convert_element_type3A_949 = arith.sitofp %convert_element_type3A_948 : vector<256x1024xi32> to vector<256x1024xf32>
    %convert_element_type3A_950 = arith.truncf %convert_element_type3A_949 : vector<256x1024xf32> to vector<256x1024xbf16>
    %get3A_951 = arith.constant 0 : index
    %get3A_952 = arith.constant 0 : index
    %get3A_953 = vector.load %arg2[%get3A_951, %get3A_952] : memref<256x128xbf16, #tpu.memory_space<vmem>>, vector<256x128xbf16>
    %dot_general3A_954 = arith.constant dense<0.000000e+00> : vector<128x1024xf32>
    %dot_general3A_955 = tpu.matmul %get3A_953, %convert_element_type3A_950, %dot_general3A_954 {dimension_numbers = #tpu.dot_dimension_numbers<[0], [0], [1], [1], [0, 1, 1, 1], [], []>, transpose_lhs_hint = false} : vector<256x128xbf16>, vector<256x1024xbf16>, vector<128x1024xf32> -> vector<128x1024xf32>
    %slice3A_956 = vector.extract_strided_slice %dot_general3A_955 {offsets = [0, 0], sizes = [64, 1024], strides = [1, 1]} : vector<128x1024xf32> to vector<64x1024xf32>
    %slice3A_957 = vector.extract_strided_slice %dot_general3A_955 {offsets = [64, 0], sizes = [64, 1024], strides = [1, 1]} : vector<128x1024xf32> to vector<64x1024xf32>
    %add3A_958 = arith.addf %slice3A_956, %slice3A_957 : vector<64x1024xf32>
    %swap3A_959 = arith.constant 14 : index
    %swap3A_960 = arith.constant 0 : index
    %swap3A_961 = arith.constant 0 : index
    %swap3A_962 = vector.load %arg3[%swap3A_959, %swap3A_960, %swap3A_961] : memref<26x64x1024xf32, #tpu.memory_space<vmem>>, vector<1x64x1024xf32>
    %swap3A_963 = vector.shape_cast %swap3A_962 : vector<1x64x1024xf32> to vector<64x1024xf32>
    %swap3A_964 = vector.shape_cast %add3A_958 : vector<64x1024xf32> to vector<1x64x1024xf32>
    tpu.vector_store %arg3[%swap3A_959, %swap3A_960, %swap3A_961], %swap3A_964 {strides = array<i32>} : memref<26x64x1024xf32, #tpu.memory_space<vmem>>, vector<1x64x1024xf32>,
    %mul3A_965 = arith.constant 8 : i32
    %mul3A_966 = arith.muli %mul3A_965, %arg0 : i32
    %add3A_967 = arith.constant 480 : i32
    %add3A_968 = arith.addi %add3A_967, %mul3A_966 : i32
    %add3A_969 = arith.constant 0 : i32
    %add3A_970 = arith.addi %add3A_968, %add3A_969 : i32
    %get3A_971 = arith.index_cast %add3A_970 : i32 to index
    %get3A_972 = arith.constant 0 : index
    %get3A_973 = vector.load %arg1[%get3A_971, %get3A_972] : memref<832x128xi32, #tpu.memory_space<vmem>>, vector<1x128xi32>
    %add3A_974 = arith.constant 1 : i32
    %add3A_975 = arith.addi %add3A_968, %add3A_974 : i32
    %get3A_976 = arith.index_cast %add3A_975 : i32 to index
    %get3A_977 = arith.constant 0 : index
    %get3A_978 = vector.load %arg1[%get3A_976, %get3A_977] : memref<832x128xi32, #tpu.memory_space<vmem>>, vector<1x128xi32>
    %add3A_979 = arith.constant 2 : i32
    %add3A_980 = arith.addi %add3A_968, %add3A_979 : i32
    %get3A_981 = arith.index_cast %add3A_980 : i32 to index
    %get3A_982 = arith.constant 0 : index
    %get3A_983 = vector.load %arg1[%get3A_981, %get3A_982] : memref<832x128xi32, #tpu.memory_space<vmem>>, vector<1x128xi32>
    %add3A_984 = arith.constant 3 : i32
    %add3A_985 = arith.addi %add3A_968, %add3A_984 : i32
    %get3A_986 = arith.index_cast %add3A_985 : i32 to index
    %get3A_987 = arith.constant 0 : index
    %get3A_988 = vector.load %arg1[%get3A_986, %get3A_987] : memref<832x128xi32, #tpu.memory_space<vmem>>, vector<1x128xi32>
    %add3A_989 = arith.constant 4 : i32
    %add3A_990 = arith.addi %add3A_968, %add3A_989 : i32
    %get3A_991 = arith.index_cast %add3A_990 : i32 to index
    %get3A_992 = arith.constant 0 : index
    %get3A_993 = vector.load %arg1[%get3A_991, %get3A_992] : memref<832x128xi32, #tpu.memory_space<vmem>>, vector<1x128xi32>
    %add3A_994 = arith.constant 5 : i32
    %add3A_995 = arith.addi %add3A_968, %add3A_994 : i32
    %get3A_996 = arith.index_cast %add3A_995 : i32 to index
    %get3A_997 = arith.constant 0 : index
    %get3A_998 = vector.load %arg1[%get3A_996, %get3A_997] : memref<832x128xi32, #tpu.memory_space<vmem>>, vector<1x128xi32>
    %add3A_999 = arith.constant 6 : i32
    %add3A_1000 = arith.addi %add3A_968, %add3A_999 : i32
    %get3A_1001 = arith.index_cast %add3A_1000 : i32 to index
    %get3A_1002 = arith.constant 0 : index
    %get3A_1003 = vector.load %arg1[%get3A_1001, %get3A_1002] : memref<832x128xi32, #tpu.memory_space<vmem>>, vector<1x128xi32>
    %add3A_1004 = arith.constant 7 : i32
    %add3A_1005 = arith.addi %add3A_968, %add3A_1004 : i32
    %get3A_1006 = arith.index_cast %add3A_1005 : i32 to index
    %get3A_1007 = arith.constant 0 : index
    %get3A_1008 = vector.load %arg1[%get3A_1006, %get3A_1007] : memref<832x128xi32, #tpu.memory_space<vmem>>, vector<1x128xi32>
    %concatenate3A_1009 = tpu.concatenate %get3A_973, %get3A_978, %get3A_983, %get3A_988, %get3A_993, %get3A_998, %get3A_1003, %get3A_1008 in 1 : vector<1x128xi32>, vector<1x128xi32>, vector<1x128xi32>, vector<1x128xi32>, vector<1x128xi32>, vector<1x128xi32>, vector<1x128xi32>, vector<1x128xi32> -> vector<1x1024xi32>
    %broadcast_in_dim3A_1010 = vector.shape_cast %concatenate3A_1009 : vector<1x1024xi32> to vector<1x1024xi32>
    %broadcast_in_dim3A_1011 = vector.broadcast %broadcast_in_dim3A_1010 : vector<1x1024xi32> to vector<256x1024xi32>
    %eq3A_1012 = arith.cmpi eq, %broadcast_in_dim3A_1011, %iota3A : vector<256x1024xi32>
    %convert_element_type3A_1013 = arith.extui %eq3A_1012 : vector<256x1024xi1> to vector<256x1024xi32>
    %convert_element_type3A_1014 = arith.sitofp %convert_element_type3A_1013 : vector<256x1024xi32> to vector<256x1024xf32>
    %convert_element_type3A_1015 = arith.truncf %convert_element_type3A_1014 : vector<256x1024xf32> to vector<256x1024xbf16>
    %get3A_1016 = arith.constant 0 : index
    %get3A_1017 = arith.constant 0 : index
    %get3A_1018 = vector.load %arg2[%get3A_1016, %get3A_1017] : memref<256x128xbf16, #tpu.memory_space<vmem>>, vector<256x128xbf16>
    %dot_general3A_1019 = arith.constant dense<0.000000e+00> : vector<128x1024xf32>
    %dot_general3A_1020 = tpu.matmul %get3A_1018, %convert_element_type3A_1015, %dot_general3A_1019 {dimension_numbers = #tpu.dot_dimension_numbers<[0], [0], [1], [1], [0, 1, 1, 1], [], []>, transpose_lhs_hint = false} : vector<256x128xbf16>, vector<256x1024xbf16>, vector<128x1024xf32> -> vector<128x1024xf32>
    %slice3A_1021 = vector.extract_strided_slice %dot_general3A_1020 {offsets = [0, 0], sizes = [64, 1024], strides = [1, 1]} : vector<128x1024xf32> to vector<64x1024xf32>
    %slice3A_1022 = vector.extract_strided_slice %dot_general3A_1020 {offsets = [64, 0], sizes = [64, 1024], strides = [1, 1]} : vector<128x1024xf32> to vector<64x1024xf32>
    %add3A_1023 = arith.addf %slice3A_1021, %slice3A_1022 : vector<64x1024xf32>
    %swap3A_1024 = arith.constant 15 : index
    %swap3A_1025 = arith.constant 0 : index
    %swap3A_1026 = arith.constant 0 : index
    %swap3A_1027 = vector.load %arg3[%swap3A_1024, %swap3A_1025, %swap3A_1026] : memref<26x64x1024xf32, #tpu.memory_space<vmem>>, vector<1x64x1024xf32>
    %swap3A_1028 = vector.shape_cast %swap3A_1027 : vector<1x64x1024xf32> to vector<64x1024xf32>
    %swap3A_1029 = vector.shape_cast %add3A_1023 : vector<64x1024xf32> to vector<1x64x1024xf32>
    tpu.vector_store %arg3[%swap3A_1024, %swap3A_1025, %swap3A_1026], %swap3A_1029 {strides = array<i32>} : memref<26x64x1024xf32, #tpu.memory_space<vmem>>, vector<1x64x1024xf32>,
    %mul3A_1030 = arith.constant 8 : i32
    %mul3A_1031 = arith.muli %mul3A_1030, %arg0 : i32
    %add3A_1032 = arith.constant 512 : i32
    %add3A_1033 = arith.addi %add3A_1032, %mul3A_1031 : i32
    %add3A_1034 = arith.constant 0 : i32
    %add3A_1035 = arith.addi %add3A_1033, %add3A_1034 : i32
    %get3A_1036 = arith.index_cast %add3A_1035 : i32 to index
    %get3A_1037 = arith.constant 0 : index
    %get3A_1038 = vector.load %arg1[%get3A_1036, %get3A_1037] : memref<832x128xi32, #tpu.memory_space<vmem>>, vector<1x128xi32>
    %add3A_1039 = arith.constant 1 : i32
    %add3A_1040 = arith.addi %add3A_1033, %add3A_1039 : i32
    %get3A_1041 = arith.index_cast %add3A_1040 : i32 to index
    %get3A_1042 = arith.constant 0 : index
    %get3A_1043 = vector.load %arg1[%get3A_1041, %get3A_1042] : memref<832x128xi32, #tpu.memory_space<vmem>>, vector<1x128xi32>
    %add3A_1044 = arith.constant 2 : i32
    %add3A_1045 = arith.addi %add3A_1033, %add3A_1044 : i32
    %get3A_1046 = arith.index_cast %add3A_1045 : i32 to index
    %get3A_1047 = arith.constant 0 : index
    %get3A_1048 = vector.load %arg1[%get3A_1046, %get3A_1047] : memref<832x128xi32, #tpu.memory_space<vmem>>, vector<1x128xi32>
    %add3A_1049 = arith.constant 3 : i32
    %add3A_1050 = arith.addi %add3A_1033, %add3A_1049 : i32
    %get3A_1051 = arith.index_cast %add3A_1050 : i32 to index
    %get3A_1052 = arith.constant 0 : index
    %get3A_1053 = vector.load %arg1[%get3A_1051, %get3A_1052] : memref<832x128xi32, #tpu.memory_space<vmem>>, vector<1x128xi32>
    %add3A_1054 = arith.constant 4 : i32
    %add3A_1055 = arith.addi %add3A_1033, %add3A_1054 : i32
    %get3A_1056 = arith.index_cast %add3A_1055 : i32 to index
    %get3A_1057 = arith.constant 0 : index
    %get3A_1058 = vector.load %arg1[%get3A_1056, %get3A_1057] : memref<832x128xi32, #tpu.memory_space<vmem>>, vector<1x128xi32>
    %add3A_1059 = arith.constant 5 : i32
    %add3A_1060 = arith.addi %add3A_1033, %add3A_1059 : i32
    %get3A_1061 = arith.index_cast %add3A_1060 : i32 to index
    %get3A_1062 = arith.constant 0 : index
    %get3A_1063 = vector.load %arg1[%get3A_1061, %get3A_1062] : memref<832x128xi32, #tpu.memory_space<vmem>>, vector<1x128xi32>
    %add3A_1064 = arith.constant 6 : i32
    %add3A_1065 = arith.addi %add3A_1033, %add3A_1064 : i32
    %get3A_1066 = arith.index_cast %add3A_1065 : i32 to index
    %get3A_1067 = arith.constant 0 : index
    %get3A_1068 = vector.load %arg1[%get3A_1066, %get3A_1067] : memref<832x128xi32, #tpu.memory_space<vmem>>, vector<1x128xi32>
    %add3A_1069 = arith.constant 7 : i32
    %add3A_1070 = arith.addi %add3A_1033, %add3A_1069 : i32
    %get3A_1071 = arith.index_cast %add3A_1070 : i32 to index
    %get3A_1072 = arith.constant 0 : index
    %get3A_1073 = vector.load %arg1[%get3A_1071, %get3A_1072] : memref<832x128xi32, #tpu.memory_space<vmem>>, vector<1x128xi32>
    %concatenate3A_1074 = tpu.concatenate %get3A_1038, %get3A_1043, %get3A_1048, %get3A_1053, %get3A_1058, %get3A_1063, %get3A_1068, %get3A_1073 in 1 : vector<1x128xi32>, vector<1x128xi32>, vector<1x128xi32>, vector<1x128xi32>, vector<1x128xi32>, vector<1x128xi32>, vector<1x128xi32>, vector<1x128xi32> -> vector<1x1024xi32>
    %broadcast_in_dim3A_1075 = vector.shape_cast %concatenate3A_1074 : vector<1x1024xi32> to vector<1x1024xi32>
    %broadcast_in_dim3A_1076 = vector.broadcast %broadcast_in_dim3A_1075 : vector<1x1024xi32> to vector<256x1024xi32>
    %eq3A_1077 = arith.cmpi eq, %broadcast_in_dim3A_1076, %iota3A : vector<256x1024xi32>
    %convert_element_type3A_1078 = arith.extui %eq3A_1077 : vector<256x1024xi1> to vector<256x1024xi32>
    %convert_element_type3A_1079 = arith.sitofp %convert_element_type3A_1078 : vector<256x1024xi32> to vector<256x1024xf32>
    %convert_element_type3A_1080 = arith.truncf %convert_element_type3A_1079 : vector<256x1024xf32> to vector<256x1024xbf16>
    %get3A_1081 = arith.constant 0 : index
    %get3A_1082 = arith.constant 0 : index
    %get3A_1083 = vector.load %arg2[%get3A_1081, %get3A_1082] : memref<256x128xbf16, #tpu.memory_space<vmem>>, vector<256x128xbf16>
    %dot_general3A_1084 = arith.constant dense<0.000000e+00> : vector<128x1024xf32>
    %dot_general3A_1085 = tpu.matmul %get3A_1083, %convert_element_type3A_1080, %dot_general3A_1084 {dimension_numbers = #tpu.dot_dimension_numbers<[0], [0], [1], [1], [0, 1, 1, 1], [], []>, transpose_lhs_hint = false} : vector<256x128xbf16>, vector<256x1024xbf16>, vector<128x1024xf32> -> vector<128x1024xf32>
    %slice3A_1086 = vector.extract_strided_slice %dot_general3A_1085 {offsets = [0, 0], sizes = [64, 1024], strides = [1, 1]} : vector<128x1024xf32> to vector<64x1024xf32>
    %slice3A_1087 = vector.extract_strided_slice %dot_general3A_1085 {offsets = [64, 0], sizes = [64, 1024], strides = [1, 1]} : vector<128x1024xf32> to vector<64x1024xf32>
    %add3A_1088 = arith.addf %slice3A_1086, %slice3A_1087 : vector<64x1024xf32>
    %swap3A_1089 = arith.constant 16 : index
    %swap3A_1090 = arith.constant 0 : index
    %swap3A_1091 = arith.constant 0 : index
    %swap3A_1092 = vector.load %arg3[%swap3A_1089, %swap3A_1090, %swap3A_1091] : memref<26x64x1024xf32, #tpu.memory_space<vmem>>, vector<1x64x1024xf32>
    %swap3A_1093 = vector.shape_cast %swap3A_1092 : vector<1x64x1024xf32> to vector<64x1024xf32>
    %swap3A_1094 = vector.shape_cast %add3A_1088 : vector<64x1024xf32> to vector<1x64x1024xf32>
    tpu.vector_store %arg3[%swap3A_1089, %swap3A_1090, %swap3A_1091], %swap3A_1094 {strides = array<i32>} : memref<26x64x1024xf32, #tpu.memory_space<vmem>>, vector<1x64x1024xf32>,
    %mul3A_1095 = arith.constant 8 : i32
    %mul3A_1096 = arith.muli %mul3A_1095, %arg0 : i32
    %add3A_1097 = arith.constant 544 : i32
    %add3A_1098 = arith.addi %add3A_1097, %mul3A_1096 : i32
    %add3A_1099 = arith.constant 0 : i32
    %add3A_1100 = arith.addi %add3A_1098, %add3A_1099 : i32
    %get3A_1101 = arith.index_cast %add3A_1100 : i32 to index
    %get3A_1102 = arith.constant 0 : index
    %get3A_1103 = vector.load %arg1[%get3A_1101, %get3A_1102] : memref<832x128xi32, #tpu.memory_space<vmem>>, vector<1x128xi32>
    %add3A_1104 = arith.constant 1 : i32
    %add3A_1105 = arith.addi %add3A_1098, %add3A_1104 : i32
    %get3A_1106 = arith.index_cast %add3A_1105 : i32 to index
    %get3A_1107 = arith.constant 0 : index
    %get3A_1108 = vector.load %arg1[%get3A_1106, %get3A_1107] : memref<832x128xi32, #tpu.memory_space<vmem>>, vector<1x128xi32>
    %add3A_1109 = arith.constant 2 : i32
    %add3A_1110 = arith.addi %add3A_1098, %add3A_1109 : i32
    %get3A_1111 = arith.index_cast %add3A_1110 : i32 to index
    %get3A_1112 = arith.constant 0 : index
    %get3A_1113 = vector.load %arg1[%get3A_1111, %get3A_1112] : memref<832x128xi32, #tpu.memory_space<vmem>>, vector<1x128xi32>
    %add3A_1114 = arith.constant 3 : i32
    %add3A_1115 = arith.addi %add3A_1098, %add3A_1114 : i32
    %get3A_1116 = arith.index_cast %add3A_1115 : i32 to index
    %get3A_1117 = arith.constant 0 : index
    %get3A_1118 = vector.load %arg1[%get3A_1116, %get3A_1117] : memref<832x128xi32, #tpu.memory_space<vmem>>, vector<1x128xi32>
    %add3A_1119 = arith.constant 4 : i32
    %add3A_1120 = arith.addi %add3A_1098, %add3A_1119 : i32
    %get3A_1121 = arith.index_cast %add3A_1120 : i32 to index
    %get3A_1122 = arith.constant 0 : index
    %get3A_1123 = vector.load %arg1[%get3A_1121, %get3A_1122] : memref<832x128xi32, #tpu.memory_space<vmem>>, vector<1x128xi32>
    %add3A_1124 = arith.constant 5 : i32
    %add3A_1125 = arith.addi %add3A_1098, %add3A_1124 : i32
    %get3A_1126 = arith.index_cast %add3A_1125 : i32 to index
    %get3A_1127 = arith.constant 0 : index
    %get3A_1128 = vector.load %arg1[%get3A_1126, %get3A_1127] : memref<832x128xi32, #tpu.memory_space<vmem>>, vector<1x128xi32>
    %add3A_1129 = arith.constant 6 : i32
    %add3A_1130 = arith.addi %add3A_1098, %add3A_1129 : i32
    %get3A_1131 = arith.index_cast %add3A_1130 : i32 to index
    %get3A_1132 = arith.constant 0 : index
    %get3A_1133 = vector.load %arg1[%get3A_1131, %get3A_1132] : memref<832x128xi32, #tpu.memory_space<vmem>>, vector<1x128xi32>
    %add3A_1134 = arith.constant 7 : i32
    %add3A_1135 = arith.addi %add3A_1098, %add3A_1134 : i32
    %get3A_1136 = arith.index_cast %add3A_1135 : i32 to index
    %get3A_1137 = arith.constant 0 : index
    %get3A_1138 = vector.load %arg1[%get3A_1136, %get3A_1137] : memref<832x128xi32, #tpu.memory_space<vmem>>, vector<1x128xi32>
    %concatenate3A_1139 = tpu.concatenate %get3A_1103, %get3A_1108, %get3A_1113, %get3A_1118, %get3A_1123, %get3A_1128, %get3A_1133, %get3A_1138 in 1 : vector<1x128xi32>, vector<1x128xi32>, vector<1x128xi32>, vector<1x128xi32>, vector<1x128xi32>, vector<1x128xi32>, vector<1x128xi32>, vector<1x128xi32> -> vector<1x1024xi32>
    %broadcast_in_dim3A_1140 = vector.shape_cast %concatenate3A_1139 : vector<1x1024xi32> to vector<1x1024xi32>
    %broadcast_in_dim3A_1141 = vector.broadcast %broadcast_in_dim3A_1140 : vector<1x1024xi32> to vector<256x1024xi32>
    %eq3A_1142 = arith.cmpi eq, %broadcast_in_dim3A_1141, %iota3A : vector<256x1024xi32>
    %convert_element_type3A_1143 = arith.extui %eq3A_1142 : vector<256x1024xi1> to vector<256x1024xi32>
    %convert_element_type3A_1144 = arith.sitofp %convert_element_type3A_1143 : vector<256x1024xi32> to vector<256x1024xf32>
    %convert_element_type3A_1145 = arith.truncf %convert_element_type3A_1144 : vector<256x1024xf32> to vector<256x1024xbf16>
    %get3A_1146 = arith.constant 0 : index
    %get3A_1147 = arith.constant 0 : index
    %get3A_1148 = vector.load %arg2[%get3A_1146, %get3A_1147] : memref<256x128xbf16, #tpu.memory_space<vmem>>, vector<256x128xbf16>
    %dot_general3A_1149 = arith.constant dense<0.000000e+00> : vector<128x1024xf32>
    %dot_general3A_1150 = tpu.matmul %get3A_1148, %convert_element_type3A_1145, %dot_general3A_1149 {dimension_numbers = #tpu.dot_dimension_numbers<[0], [0], [1], [1], [0, 1, 1, 1], [], []>, transpose_lhs_hint = false} : vector<256x128xbf16>, vector<256x1024xbf16>, vector<128x1024xf32> -> vector<128x1024xf32>
    %slice3A_1151 = vector.extract_strided_slice %dot_general3A_1150 {offsets = [0, 0], sizes = [64, 1024], strides = [1, 1]} : vector<128x1024xf32> to vector<64x1024xf32>
    %slice3A_1152 = vector.extract_strided_slice %dot_general3A_1150 {offsets = [64, 0], sizes = [64, 1024], strides = [1, 1]} : vector<128x1024xf32> to vector<64x1024xf32>
    %add3A_1153 = arith.addf %slice3A_1151, %slice3A_1152 : vector<64x1024xf32>
    %swap3A_1154 = arith.constant 17 : index
    %swap3A_1155 = arith.constant 0 : index
    %swap3A_1156 = arith.constant 0 : index
    %swap3A_1157 = vector.load %arg3[%swap3A_1154, %swap3A_1155, %swap3A_1156] : memref<26x64x1024xf32, #tpu.memory_space<vmem>>, vector<1x64x1024xf32>
    %swap3A_1158 = vector.shape_cast %swap3A_1157 : vector<1x64x1024xf32> to vector<64x1024xf32>
    %swap3A_1159 = vector.shape_cast %add3A_1153 : vector<64x1024xf32> to vector<1x64x1024xf32>
    tpu.vector_store %arg3[%swap3A_1154, %swap3A_1155, %swap3A_1156], %swap3A_1159 {strides = array<i32>} : memref<26x64x1024xf32, #tpu.memory_space<vmem>>, vector<1x64x1024xf32>,
    %mul3A_1160 = arith.constant 8 : i32
    %mul3A_1161 = arith.muli %mul3A_1160, %arg0 : i32
    %add3A_1162 = arith.constant 576 : i32
    %add3A_1163 = arith.addi %add3A_1162, %mul3A_1161 : i32
    %add3A_1164 = arith.constant 0 : i32
    %add3A_1165 = arith.addi %add3A_1163, %add3A_1164 : i32
    %get3A_1166 = arith.index_cast %add3A_1165 : i32 to index
    %get3A_1167 = arith.constant 0 : index
    %get3A_1168 = vector.load %arg1[%get3A_1166, %get3A_1167] : memref<832x128xi32, #tpu.memory_space<vmem>>, vector<1x128xi32>
    %add3A_1169 = arith.constant 1 : i32
    %add3A_1170 = arith.addi %add3A_1163, %add3A_1169 : i32
    %get3A_1171 = arith.index_cast %add3A_1170 : i32 to index
    %get3A_1172 = arith.constant 0 : index
    %get3A_1173 = vector.load %arg1[%get3A_1171, %get3A_1172] : memref<832x128xi32, #tpu.memory_space<vmem>>, vector<1x128xi32>
    %add3A_1174 = arith.constant 2 : i32
    %add3A_1175 = arith.addi %add3A_1163, %add3A_1174 : i32
    %get3A_1176 = arith.index_cast %add3A_1175 : i32 to index
    %get3A_1177 = arith.constant 0 : index
    %get3A_1178 = vector.load %arg1[%get3A_1176, %get3A_1177] : memref<832x128xi32, #tpu.memory_space<vmem>>, vector<1x128xi32>
    %add3A_1179 = arith.constant 3 : i32
    %add3A_1180 = arith.addi %add3A_1163, %add3A_1179 : i32
    %get3A_1181 = arith.index_cast %add3A_1180 : i32 to index
    %get3A_1182 = arith.constant 0 : index
    %get3A_1183 = vector.load %arg1[%get3A_1181, %get3A_1182] : memref<832x128xi32, #tpu.memory_space<vmem>>, vector<1x128xi32>
    %add3A_1184 = arith.constant 4 : i32
    %add3A_1185 = arith.addi %add3A_1163, %add3A_1184 : i32
    %get3A_1186 = arith.index_cast %add3A_1185 : i32 to index
    %get3A_1187 = arith.constant 0 : index
    %get3A_1188 = vector.load %arg1[%get3A_1186, %get3A_1187] : memref<832x128xi32, #tpu.memory_space<vmem>>, vector<1x128xi32>
    %add3A_1189 = arith.constant 5 : i32
    %add3A_1190 = arith.addi %add3A_1163, %add3A_1189 : i32
    %get3A_1191 = arith.index_cast %add3A_1190 : i32 to index
    %get3A_1192 = arith.constant 0 : index
    %get3A_1193 = vector.load %arg1[%get3A_1191, %get3A_1192] : memref<832x128xi32, #tpu.memory_space<vmem>>, vector<1x128xi32>
    %add3A_1194 = arith.constant 6 : i32
    %add3A_1195 = arith.addi %add3A_1163, %add3A_1194 : i32
    %get3A_1196 = arith.index_cast %add3A_1195 : i32 to index
    %get3A_1197 = arith.constant 0 : index
    %get3A_1198 = vector.load %arg1[%get3A_1196, %get3A_1197] : memref<832x128xi32, #tpu.memory_space<vmem>>, vector<1x128xi32>
    %add3A_1199 = arith.constant 7 : i32
    %add3A_1200 = arith.addi %add3A_1163, %add3A_1199 : i32
    %get3A_1201 = arith.index_cast %add3A_1200 : i32 to index
    %get3A_1202 = arith.constant 0 : index
    %get3A_1203 = vector.load %arg1[%get3A_1201, %get3A_1202] : memref<832x128xi32, #tpu.memory_space<vmem>>, vector<1x128xi32>
    %concatenate3A_1204 = tpu.concatenate %get3A_1168, %get3A_1173, %get3A_1178, %get3A_1183, %get3A_1188, %get3A_1193, %get3A_1198, %get3A_1203 in 1 : vector<1x128xi32>, vector<1x128xi32>, vector<1x128xi32>, vector<1x128xi32>, vector<1x128xi32>, vector<1x128xi32>, vector<1x128xi32>, vector<1x128xi32> -> vector<1x1024xi32>
    %broadcast_in_dim3A_1205 = vector.shape_cast %concatenate3A_1204 : vector<1x1024xi32> to vector<1x1024xi32>
    %broadcast_in_dim3A_1206 = vector.broadcast %broadcast_in_dim3A_1205 : vector<1x1024xi32> to vector<256x1024xi32>
    %eq3A_1207 = arith.cmpi eq, %broadcast_in_dim3A_1206, %iota3A : vector<256x1024xi32>
    %convert_element_type3A_1208 = arith.extui %eq3A_1207 : vector<256x1024xi1> to vector<256x1024xi32>
    %convert_element_type3A_1209 = arith.sitofp %convert_element_type3A_1208 : vector<256x1024xi32> to vector<256x1024xf32>
    %convert_element_type3A_1210 = arith.truncf %convert_element_type3A_1209 : vector<256x1024xf32> to vector<256x1024xbf16>
    %get3A_1211 = arith.constant 0 : index
    %get3A_1212 = arith.constant 0 : index
    %get3A_1213 = vector.load %arg2[%get3A_1211, %get3A_1212] : memref<256x128xbf16, #tpu.memory_space<vmem>>, vector<256x128xbf16>
    %dot_general3A_1214 = arith.constant dense<0.000000e+00> : vector<128x1024xf32>
    %dot_general3A_1215 = tpu.matmul %get3A_1213, %convert_element_type3A_1210, %dot_general3A_1214 {dimension_numbers = #tpu.dot_dimension_numbers<[0], [0], [1], [1], [0, 1, 1, 1], [], []>, transpose_lhs_hint = false} : vector<256x128xbf16>, vector<256x1024xbf16>, vector<128x1024xf32> -> vector<128x1024xf32>
    %slice3A_1216 = vector.extract_strided_slice %dot_general3A_1215 {offsets = [0, 0], sizes = [64, 1024], strides = [1, 1]} : vector<128x1024xf32> to vector<64x1024xf32>
    %slice3A_1217 = vector.extract_strided_slice %dot_general3A_1215 {offsets = [64, 0], sizes = [64, 1024], strides = [1, 1]} : vector<128x1024xf32> to vector<64x1024xf32>
    %add3A_1218 = arith.addf %slice3A_1216, %slice3A_1217 : vector<64x1024xf32>
    %swap3A_1219 = arith.constant 18 : index
    %swap3A_1220 = arith.constant 0 : index
    %swap3A_1221 = arith.constant 0 : index
    %swap3A_1222 = vector.load %arg3[%swap3A_1219, %swap3A_1220, %swap3A_1221] : memref<26x64x1024xf32, #tpu.memory_space<vmem>>, vector<1x64x1024xf32>
    %swap3A_1223 = vector.shape_cast %swap3A_1222 : vector<1x64x1024xf32> to vector<64x1024xf32>
    %swap3A_1224 = vector.shape_cast %add3A_1218 : vector<64x1024xf32> to vector<1x64x1024xf32>
    tpu.vector_store %arg3[%swap3A_1219, %swap3A_1220, %swap3A_1221], %swap3A_1224 {strides = array<i32>} : memref<26x64x1024xf32, #tpu.memory_space<vmem>>, vector<1x64x1024xf32>,
    %mul3A_1225 = arith.constant 8 : i32
    %mul3A_1226 = arith.muli %mul3A_1225, %arg0 : i32
    %add3A_1227 = arith.constant 608 : i32
    %add3A_1228 = arith.addi %add3A_1227, %mul3A_1226 : i32
    %add3A_1229 = arith.constant 0 : i32
    %add3A_1230 = arith.addi %add3A_1228, %add3A_1229 : i32
    %get3A_1231 = arith.index_cast %add3A_1230 : i32 to index
    %get3A_1232 = arith.constant 0 : index
    %get3A_1233 = vector.load %arg1[%get3A_1231, %get3A_1232] : memref<832x128xi32, #tpu.memory_space<vmem>>, vector<1x128xi32>
    %add3A_1234 = arith.constant 1 : i32
    %add3A_1235 = arith.addi %add3A_1228, %add3A_1234 : i32
    %get3A_1236 = arith.index_cast %add3A_1235 : i32 to index
    %get3A_1237 = arith.constant 0 : index
    %get3A_1238 = vector.load %arg1[%get3A_1236, %get3A_1237] : memref<832x128xi32, #tpu.memory_space<vmem>>, vector<1x128xi32>
    %add3A_1239 = arith.constant 2 : i32
    %add3A_1240 = arith.addi %add3A_1228, %add3A_1239 : i32
    %get3A_1241 = arith.index_cast %add3A_1240 : i32 to index
    %get3A_1242 = arith.constant 0 : index
    %get3A_1243 = vector.load %arg1[%get3A_1241, %get3A_1242] : memref<832x128xi32, #tpu.memory_space<vmem>>, vector<1x128xi32>
    %add3A_1244 = arith.constant 3 : i32
    %add3A_1245 = arith.addi %add3A_1228, %add3A_1244 : i32
    %get3A_1246 = arith.index_cast %add3A_1245 : i32 to index
    %get3A_1247 = arith.constant 0 : index
    %get3A_1248 = vector.load %arg1[%get3A_1246, %get3A_1247] : memref<832x128xi32, #tpu.memory_space<vmem>>, vector<1x128xi32>
    %add3A_1249 = arith.constant 4 : i32
    %add3A_1250 = arith.addi %add3A_1228, %add3A_1249 : i32
    %get3A_1251 = arith.index_cast %add3A_1250 : i32 to index
    %get3A_1252 = arith.constant 0 : index
    %get3A_1253 = vector.load %arg1[%get3A_1251, %get3A_1252] : memref<832x128xi32, #tpu.memory_space<vmem>>, vector<1x128xi32>
    %add3A_1254 = arith.constant 5 : i32
    %add3A_1255 = arith.addi %add3A_1228, %add3A_1254 : i32
    %get3A_1256 = arith.index_cast %add3A_1255 : i32 to index
    %get3A_1257 = arith.constant 0 : index
    %get3A_1258 = vector.load %arg1[%get3A_1256, %get3A_1257] : memref<832x128xi32, #tpu.memory_space<vmem>>, vector<1x128xi32>
    %add3A_1259 = arith.constant 6 : i32
    %add3A_1260 = arith.addi %add3A_1228, %add3A_1259 : i32
    %get3A_1261 = arith.index_cast %add3A_1260 : i32 to index
    %get3A_1262 = arith.constant 0 : index
    %get3A_1263 = vector.load %arg1[%get3A_1261, %get3A_1262] : memref<832x128xi32, #tpu.memory_space<vmem>>, vector<1x128xi32>
    %add3A_1264 = arith.constant 7 : i32
    %add3A_1265 = arith.addi %add3A_1228, %add3A_1264 : i32
    %get3A_1266 = arith.index_cast %add3A_1265 : i32 to index
    %get3A_1267 = arith.constant 0 : index
    %get3A_1268 = vector.load %arg1[%get3A_1266, %get3A_1267] : memref<832x128xi32, #tpu.memory_space<vmem>>, vector<1x128xi32>
    %concatenate3A_1269 = tpu.concatenate %get3A_1233, %get3A_1238, %get3A_1243, %get3A_1248, %get3A_1253, %get3A_1258, %get3A_1263, %get3A_1268 in 1 : vector<1x128xi32>, vector<1x128xi32>, vector<1x128xi32>, vector<1x128xi32>, vector<1x128xi32>, vector<1x128xi32>, vector<1x128xi32>, vector<1x128xi32> -> vector<1x1024xi32>
    %broadcast_in_dim3A_1270 = vector.shape_cast %concatenate3A_1269 : vector<1x1024xi32> to vector<1x1024xi32>
    %broadcast_in_dim3A_1271 = vector.broadcast %broadcast_in_dim3A_1270 : vector<1x1024xi32> to vector<256x1024xi32>
    %eq3A_1272 = arith.cmpi eq, %broadcast_in_dim3A_1271, %iota3A : vector<256x1024xi32>
    %convert_element_type3A_1273 = arith.extui %eq3A_1272 : vector<256x1024xi1> to vector<256x1024xi32>
    %convert_element_type3A_1274 = arith.sitofp %convert_element_type3A_1273 : vector<256x1024xi32> to vector<256x1024xf32>
    %convert_element_type3A_1275 = arith.truncf %convert_element_type3A_1274 : vector<256x1024xf32> to vector<256x1024xbf16>
    %get3A_1276 = arith.constant 0 : index
    %get3A_1277 = arith.constant 0 : index
    %get3A_1278 = vector.load %arg2[%get3A_1276, %get3A_1277] : memref<256x128xbf16, #tpu.memory_space<vmem>>, vector<256x128xbf16>
    %dot_general3A_1279 = arith.constant dense<0.000000e+00> : vector<128x1024xf32>
    %dot_general3A_1280 = tpu.matmul %get3A_1278, %convert_element_type3A_1275, %dot_general3A_1279 {dimension_numbers = #tpu.dot_dimension_numbers<[0], [0], [1], [1], [0, 1, 1, 1], [], []>, transpose_lhs_hint = false} : vector<256x128xbf16>, vector<256x1024xbf16>, vector<128x1024xf32> -> vector<128x1024xf32>
    %slice3A_1281 = vector.extract_strided_slice %dot_general3A_1280 {offsets = [0, 0], sizes = [64, 1024], strides = [1, 1]} : vector<128x1024xf32> to vector<64x1024xf32>
    %slice3A_1282 = vector.extract_strided_slice %dot_general3A_1280 {offsets = [64, 0], sizes = [64, 1024], strides = [1, 1]} : vector<128x1024xf32> to vector<64x1024xf32>
    %add3A_1283 = arith.addf %slice3A_1281, %slice3A_1282 : vector<64x1024xf32>
    %swap3A_1284 = arith.constant 19 : index
    %swap3A_1285 = arith.constant 0 : index
    %swap3A_1286 = arith.constant 0 : index
    %swap3A_1287 = vector.load %arg3[%swap3A_1284, %swap3A_1285, %swap3A_1286] : memref<26x64x1024xf32, #tpu.memory_space<vmem>>, vector<1x64x1024xf32>
    %swap3A_1288 = vector.shape_cast %swap3A_1287 : vector<1x64x1024xf32> to vector<64x1024xf32>
    %swap3A_1289 = vector.shape_cast %add3A_1283 : vector<64x1024xf32> to vector<1x64x1024xf32>
    tpu.vector_store %arg3[%swap3A_1284, %swap3A_1285, %swap3A_1286], %swap3A_1289 {strides = array<i32>} : memref<26x64x1024xf32, #tpu.memory_space<vmem>>, vector<1x64x1024xf32>,
    %mul3A_1290 = arith.constant 8 : i32
    %mul3A_1291 = arith.muli %mul3A_1290, %arg0 : i32
    %add3A_1292 = arith.constant 640 : i32
    %add3A_1293 = arith.addi %add3A_1292, %mul3A_1291 : i32
    %add3A_1294 = arith.constant 0 : i32
    %add3A_1295 = arith.addi %add3A_1293, %add3A_1294 : i32
    %get3A_1296 = arith.index_cast %add3A_1295 : i32 to index
    %get3A_1297 = arith.constant 0 : index
    %get3A_1298 = vector.load %arg1[%get3A_1296, %get3A_1297] : memref<832x128xi32, #tpu.memory_space<vmem>>, vector<1x128xi32>
    %add3A_1299 = arith.constant 1 : i32
    %add3A_1300 = arith.addi %add3A_1293, %add3A_1299 : i32
    %get3A_1301 = arith.index_cast %add3A_1300 : i32 to index
    %get3A_1302 = arith.constant 0 : index
    %get3A_1303 = vector.load %arg1[%get3A_1301, %get3A_1302] : memref<832x128xi32, #tpu.memory_space<vmem>>, vector<1x128xi32>
    %add3A_1304 = arith.constant 2 : i32
    %add3A_1305 = arith.addi %add3A_1293, %add3A_1304 : i32
    %get3A_1306 = arith.index_cast %add3A_1305 : i32 to index
    %get3A_1307 = arith.constant 0 : index
    %get3A_1308 = vector.load %arg1[%get3A_1306, %get3A_1307] : memref<832x128xi32, #tpu.memory_space<vmem>>, vector<1x128xi32>
    %add3A_1309 = arith.constant 3 : i32
    %add3A_1310 = arith.addi %add3A_1293, %add3A_1309 : i32
    %get3A_1311 = arith.index_cast %add3A_1310 : i32 to index
    %get3A_1312 = arith.constant 0 : index
    %get3A_1313 = vector.load %arg1[%get3A_1311, %get3A_1312] : memref<832x128xi32, #tpu.memory_space<vmem>>, vector<1x128xi32>
    %add3A_1314 = arith.constant 4 : i32
    %add3A_1315 = arith.addi %add3A_1293, %add3A_1314 : i32
    %get3A_1316 = arith.index_cast %add3A_1315 : i32 to index
    %get3A_1317 = arith.constant 0 : index
    %get3A_1318 = vector.load %arg1[%get3A_1316, %get3A_1317] : memref<832x128xi32, #tpu.memory_space<vmem>>, vector<1x128xi32>
    %add3A_1319 = arith.constant 5 : i32
    %add3A_1320 = arith.addi %add3A_1293, %add3A_1319 : i32
    %get3A_1321 = arith.index_cast %add3A_1320 : i32 to index
    %get3A_1322 = arith.constant 0 : index
    %get3A_1323 = vector.load %arg1[%get3A_1321, %get3A_1322] : memref<832x128xi32, #tpu.memory_space<vmem>>, vector<1x128xi32>
    %add3A_1324 = arith.constant 6 : i32
    %add3A_1325 = arith.addi %add3A_1293, %add3A_1324 : i32
    %get3A_1326 = arith.index_cast %add3A_1325 : i32 to index
    %get3A_1327 = arith.constant 0 : index
    %get3A_1328 = vector.load %arg1[%get3A_1326, %get3A_1327] : memref<832x128xi32, #tpu.memory_space<vmem>>, vector<1x128xi32>
    %add3A_1329 = arith.constant 7 : i32
    %add3A_1330 = arith.addi %add3A_1293, %add3A_1329 : i32
    %get3A_1331 = arith.index_cast %add3A_1330 : i32 to index
    %get3A_1332 = arith.constant 0 : index
    %get3A_1333 = vector.load %arg1[%get3A_1331, %get3A_1332] : memref<832x128xi32, #tpu.memory_space<vmem>>, vector<1x128xi32>
    %concatenate3A_1334 = tpu.concatenate %get3A_1298, %get3A_1303, %get3A_1308, %get3A_1313, %get3A_1318, %get3A_1323, %get3A_1328, %get3A_1333 in 1 : vector<1x128xi32>, vector<1x128xi32>, vector<1x128xi32>, vector<1x128xi32>, vector<1x128xi32>, vector<1x128xi32>, vector<1x128xi32>, vector<1x128xi32> -> vector<1x1024xi32>
    %broadcast_in_dim3A_1335 = vector.shape_cast %concatenate3A_1334 : vector<1x1024xi32> to vector<1x1024xi32>
    %broadcast_in_dim3A_1336 = vector.broadcast %broadcast_in_dim3A_1335 : vector<1x1024xi32> to vector<256x1024xi32>
    %eq3A_1337 = arith.cmpi eq, %broadcast_in_dim3A_1336, %iota3A : vector<256x1024xi32>
    %convert_element_type3A_1338 = arith.extui %eq3A_1337 : vector<256x1024xi1> to vector<256x1024xi32>
    %convert_element_type3A_1339 = arith.sitofp %convert_element_type3A_1338 : vector<256x1024xi32> to vector<256x1024xf32>
    %convert_element_type3A_1340 = arith.truncf %convert_element_type3A_1339 : vector<256x1024xf32> to vector<256x1024xbf16>
    %get3A_1341 = arith.constant 0 : index
    %get3A_1342 = arith.constant 0 : index
    %get3A_1343 = vector.load %arg2[%get3A_1341, %get3A_1342] : memref<256x128xbf16, #tpu.memory_space<vmem>>, vector<256x128xbf16>
    %dot_general3A_1344 = arith.constant dense<0.000000e+00> : vector<128x1024xf32>
    %dot_general3A_1345 = tpu.matmul %get3A_1343, %convert_element_type3A_1340, %dot_general3A_1344 {dimension_numbers = #tpu.dot_dimension_numbers<[0], [0], [1], [1], [0, 1, 1, 1], [], []>, transpose_lhs_hint = false} : vector<256x128xbf16>, vector<256x1024xbf16>, vector<128x1024xf32> -> vector<128x1024xf32>
    %slice3A_1346 = vector.extract_strided_slice %dot_general3A_1345 {offsets = [0, 0], sizes = [64, 1024], strides = [1, 1]} : vector<128x1024xf32> to vector<64x1024xf32>
    %slice3A_1347 = vector.extract_strided_slice %dot_general3A_1345 {offsets = [64, 0], sizes = [64, 1024], strides = [1, 1]} : vector<128x1024xf32> to vector<64x1024xf32>
    %add3A_1348 = arith.addf %slice3A_1346, %slice3A_1347 : vector<64x1024xf32>
    %swap3A_1349 = arith.constant 20 : index
    %swap3A_1350 = arith.constant 0 : index
    %swap3A_1351 = arith.constant 0 : index
    %swap3A_1352 = vector.load %arg3[%swap3A_1349, %swap3A_1350, %swap3A_1351] : memref<26x64x1024xf32, #tpu.memory_space<vmem>>, vector<1x64x1024xf32>
    %swap3A_1353 = vector.shape_cast %swap3A_1352 : vector<1x64x1024xf32> to vector<64x1024xf32>
    %swap3A_1354 = vector.shape_cast %add3A_1348 : vector<64x1024xf32> to vector<1x64x1024xf32>
    tpu.vector_store %arg3[%swap3A_1349, %swap3A_1350, %swap3A_1351], %swap3A_1354 {strides = array<i32>} : memref<26x64x1024xf32, #tpu.memory_space<vmem>>, vector<1x64x1024xf32>,
    %mul3A_1355 = arith.constant 8 : i32
    %mul3A_1356 = arith.muli %mul3A_1355, %arg0 : i32
    %add3A_1357 = arith.constant 672 : i32
    %add3A_1358 = arith.addi %add3A_1357, %mul3A_1356 : i32
    %add3A_1359 = arith.constant 0 : i32
    %add3A_1360 = arith.addi %add3A_1358, %add3A_1359 : i32
    %get3A_1361 = arith.index_cast %add3A_1360 : i32 to index
    %get3A_1362 = arith.constant 0 : index
    %get3A_1363 = vector.load %arg1[%get3A_1361, %get3A_1362] : memref<832x128xi32, #tpu.memory_space<vmem>>, vector<1x128xi32>
    %add3A_1364 = arith.constant 1 : i32
    %add3A_1365 = arith.addi %add3A_1358, %add3A_1364 : i32
    %get3A_1366 = arith.index_cast %add3A_1365 : i32 to index
    %get3A_1367 = arith.constant 0 : index
    %get3A_1368 = vector.load %arg1[%get3A_1366, %get3A_1367] : memref<832x128xi32, #tpu.memory_space<vmem>>, vector<1x128xi32>
    %add3A_1369 = arith.constant 2 : i32
    %add3A_1370 = arith.addi %add3A_1358, %add3A_1369 : i32
    %get3A_1371 = arith.index_cast %add3A_1370 : i32 to index
    %get3A_1372 = arith.constant 0 : index
    %get3A_1373 = vector.load %arg1[%get3A_1371, %get3A_1372] : memref<832x128xi32, #tpu.memory_space<vmem>>, vector<1x128xi32>
    %add3A_1374 = arith.constant 3 : i32
    %add3A_1375 = arith.addi %add3A_1358, %add3A_1374 : i32
    %get3A_1376 = arith.index_cast %add3A_1375 : i32 to index
    %get3A_1377 = arith.constant 0 : index
    %get3A_1378 = vector.load %arg1[%get3A_1376, %get3A_1377] : memref<832x128xi32, #tpu.memory_space<vmem>>, vector<1x128xi32>
    %add3A_1379 = arith.constant 4 : i32
    %add3A_1380 = arith.addi %add3A_1358, %add3A_1379 : i32
    %get3A_1381 = arith.index_cast %add3A_1380 : i32 to index
    %get3A_1382 = arith.constant 0 : index
    %get3A_1383 = vector.load %arg1[%get3A_1381, %get3A_1382] : memref<832x128xi32, #tpu.memory_space<vmem>>, vector<1x128xi32>
    %add3A_1384 = arith.constant 5 : i32
    %add3A_1385 = arith.addi %add3A_1358, %add3A_1384 : i32
    %get3A_1386 = arith.index_cast %add3A_1385 : i32 to index
    %get3A_1387 = arith.constant 0 : index
    %get3A_1388 = vector.load %arg1[%get3A_1386, %get3A_1387] : memref<832x128xi32, #tpu.memory_space<vmem>>, vector<1x128xi32>
    %add3A_1389 = arith.constant 6 : i32
    %add3A_1390 = arith.addi %add3A_1358, %add3A_1389 : i32
    %get3A_1391 = arith.index_cast %add3A_1390 : i32 to index
    %get3A_1392 = arith.constant 0 : index
    %get3A_1393 = vector.load %arg1[%get3A_1391, %get3A_1392] : memref<832x128xi32, #tpu.memory_space<vmem>>, vector<1x128xi32>
    %add3A_1394 = arith.constant 7 : i32
    %add3A_1395 = arith.addi %add3A_1358, %add3A_1394 : i32
    %get3A_1396 = arith.index_cast %add3A_1395 : i32 to index
    %get3A_1397 = arith.constant 0 : index
    %get3A_1398 = vector.load %arg1[%get3A_1396, %get3A_1397] : memref<832x128xi32, #tpu.memory_space<vmem>>, vector<1x128xi32>
    %concatenate3A_1399 = tpu.concatenate %get3A_1363, %get3A_1368, %get3A_1373, %get3A_1378, %get3A_1383, %get3A_1388, %get3A_1393, %get3A_1398 in 1 : vector<1x128xi32>, vector<1x128xi32>, vector<1x128xi32>, vector<1x128xi32>, vector<1x128xi32>, vector<1x128xi32>, vector<1x128xi32>, vector<1x128xi32> -> vector<1x1024xi32>
    %broadcast_in_dim3A_1400 = vector.shape_cast %concatenate3A_1399 : vector<1x1024xi32> to vector<1x1024xi32>
    %broadcast_in_dim3A_1401 = vector.broadcast %broadcast_in_dim3A_1400 : vector<1x1024xi32> to vector<256x1024xi32>
    %eq3A_1402 = arith.cmpi eq, %broadcast_in_dim3A_1401, %iota3A : vector<256x1024xi32>
    %convert_element_type3A_1403 = arith.extui %eq3A_1402 : vector<256x1024xi1> to vector<256x1024xi32>
    %convert_element_type3A_1404 = arith.sitofp %convert_element_type3A_1403 : vector<256x1024xi32> to vector<256x1024xf32>
    %convert_element_type3A_1405 = arith.truncf %convert_element_type3A_1404 : vector<256x1024xf32> to vector<256x1024xbf16>
    %get3A_1406 = arith.constant 0 : index
    %get3A_1407 = arith.constant 0 : index
    %get3A_1408 = vector.load %arg2[%get3A_1406, %get3A_1407] : memref<256x128xbf16, #tpu.memory_space<vmem>>, vector<256x128xbf16>
    %dot_general3A_1409 = arith.constant dense<0.000000e+00> : vector<128x1024xf32>
    %dot_general3A_1410 = tpu.matmul %get3A_1408, %convert_element_type3A_1405, %dot_general3A_1409 {dimension_numbers = #tpu.dot_dimension_numbers<[0], [0], [1], [1], [0, 1, 1, 1], [], []>, transpose_lhs_hint = false} : vector<256x128xbf16>, vector<256x1024xbf16>, vector<128x1024xf32> -> vector<128x1024xf32>
    %slice3A_1411 = vector.extract_strided_slice %dot_general3A_1410 {offsets = [0, 0], sizes = [64, 1024], strides = [1, 1]} : vector<128x1024xf32> to vector<64x1024xf32>
    %slice3A_1412 = vector.extract_strided_slice %dot_general3A_1410 {offsets = [64, 0], sizes = [64, 1024], strides = [1, 1]} : vector<128x1024xf32> to vector<64x1024xf32>
    %add3A_1413 = arith.addf %slice3A_1411, %slice3A_1412 : vector<64x1024xf32>
    %swap3A_1414 = arith.constant 21 : index
    %swap3A_1415 = arith.constant 0 : index
    %swap3A_1416 = arith.constant 0 : index
    %swap3A_1417 = vector.load %arg3[%swap3A_1414, %swap3A_1415, %swap3A_1416] : memref<26x64x1024xf32, #tpu.memory_space<vmem>>, vector<1x64x1024xf32>
    %swap3A_1418 = vector.shape_cast %swap3A_1417 : vector<1x64x1024xf32> to vector<64x1024xf32>
    %swap3A_1419 = vector.shape_cast %add3A_1413 : vector<64x1024xf32> to vector<1x64x1024xf32>
    tpu.vector_store %arg3[%swap3A_1414, %swap3A_1415, %swap3A_1416], %swap3A_1419 {strides = array<i32>} : memref<26x64x1024xf32, #tpu.memory_space<vmem>>, vector<1x64x1024xf32>,
    %mul3A_1420 = arith.constant 8 : i32
    %mul3A_1421 = arith.muli %mul3A_1420, %arg0 : i32
    %add3A_1422 = arith.constant 704 : i32
    %add3A_1423 = arith.addi %add3A_1422, %mul3A_1421 : i32
    %add3A_1424 = arith.constant 0 : i32
    %add3A_1425 = arith.addi %add3A_1423, %add3A_1424 : i32
    %get3A_1426 = arith.index_cast %add3A_1425 : i32 to index
    %get3A_1427 = arith.constant 0 : index
    %get3A_1428 = vector.load %arg1[%get3A_1426, %get3A_1427] : memref<832x128xi32, #tpu.memory_space<vmem>>, vector<1x128xi32>
    %add3A_1429 = arith.constant 1 : i32
    %add3A_1430 = arith.addi %add3A_1423, %add3A_1429 : i32
    %get3A_1431 = arith.index_cast %add3A_1430 : i32 to index
    %get3A_1432 = arith.constant 0 : index
    %get3A_1433 = vector.load %arg1[%get3A_1431, %get3A_1432] : memref<832x128xi32, #tpu.memory_space<vmem>>, vector<1x128xi32>
    %add3A_1434 = arith.constant 2 : i32
    %add3A_1435 = arith.addi %add3A_1423, %add3A_1434 : i32
    %get3A_1436 = arith.index_cast %add3A_1435 : i32 to index
    %get3A_1437 = arith.constant 0 : index
    %get3A_1438 = vector.load %arg1[%get3A_1436, %get3A_1437] : memref<832x128xi32, #tpu.memory_space<vmem>>, vector<1x128xi32>
    %add3A_1439 = arith.constant 3 : i32
    %add3A_1440 = arith.addi %add3A_1423, %add3A_1439 : i32
    %get3A_1441 = arith.index_cast %add3A_1440 : i32 to index
    %get3A_1442 = arith.constant 0 : index
    %get3A_1443 = vector.load %arg1[%get3A_1441, %get3A_1442] : memref<832x128xi32, #tpu.memory_space<vmem>>, vector<1x128xi32>
    %add3A_1444 = arith.constant 4 : i32
    %add3A_1445 = arith.addi %add3A_1423, %add3A_1444 : i32
    %get3A_1446 = arith.index_cast %add3A_1445 : i32 to index
    %get3A_1447 = arith.constant 0 : index
    %get3A_1448 = vector.load %arg1[%get3A_1446, %get3A_1447] : memref<832x128xi32, #tpu.memory_space<vmem>>, vector<1x128xi32>
    %add3A_1449 = arith.constant 5 : i32
    %add3A_1450 = arith.addi %add3A_1423, %add3A_1449 : i32
    %get3A_1451 = arith.index_cast %add3A_1450 : i32 to index
    %get3A_1452 = arith.constant 0 : index
    %get3A_1453 = vector.load %arg1[%get3A_1451, %get3A_1452] : memref<832x128xi32, #tpu.memory_space<vmem>>, vector<1x128xi32>
    %add3A_1454 = arith.constant 6 : i32
    %add3A_1455 = arith.addi %add3A_1423, %add3A_1454 : i32
    %get3A_1456 = arith.index_cast %add3A_1455 : i32 to index
    %get3A_1457 = arith.constant 0 : index
    %get3A_1458 = vector.load %arg1[%get3A_1456, %get3A_1457] : memref<832x128xi32, #tpu.memory_space<vmem>>, vector<1x128xi32>
    %add3A_1459 = arith.constant 7 : i32
    %add3A_1460 = arith.addi %add3A_1423, %add3A_1459 : i32
    %get3A_1461 = arith.index_cast %add3A_1460 : i32 to index
    %get3A_1462 = arith.constant 0 : index
    %get3A_1463 = vector.load %arg1[%get3A_1461, %get3A_1462] : memref<832x128xi32, #tpu.memory_space<vmem>>, vector<1x128xi32>
    %concatenate3A_1464 = tpu.concatenate %get3A_1428, %get3A_1433, %get3A_1438, %get3A_1443, %get3A_1448, %get3A_1453, %get3A_1458, %get3A_1463 in 1 : vector<1x128xi32>, vector<1x128xi32>, vector<1x128xi32>, vector<1x128xi32>, vector<1x128xi32>, vector<1x128xi32>, vector<1x128xi32>, vector<1x128xi32> -> vector<1x1024xi32>
    %broadcast_in_dim3A_1465 = vector.shape_cast %concatenate3A_1464 : vector<1x1024xi32> to vector<1x1024xi32>
    %broadcast_in_dim3A_1466 = vector.broadcast %broadcast_in_dim3A_1465 : vector<1x1024xi32> to vector<256x1024xi32>
    %eq3A_1467 = arith.cmpi eq, %broadcast_in_dim3A_1466, %iota3A : vector<256x1024xi32>
    %convert_element_type3A_1468 = arith.extui %eq3A_1467 : vector<256x1024xi1> to vector<256x1024xi32>
    %convert_element_type3A_1469 = arith.sitofp %convert_element_type3A_1468 : vector<256x1024xi32> to vector<256x1024xf32>
    %convert_element_type3A_1470 = arith.truncf %convert_element_type3A_1469 : vector<256x1024xf32> to vector<256x1024xbf16>
    %get3A_1471 = arith.constant 0 : index
    %get3A_1472 = arith.constant 0 : index
    %get3A_1473 = vector.load %arg2[%get3A_1471, %get3A_1472] : memref<256x128xbf16, #tpu.memory_space<vmem>>, vector<256x128xbf16>
    %dot_general3A_1474 = arith.constant dense<0.000000e+00> : vector<128x1024xf32>
    %dot_general3A_1475 = tpu.matmul %get3A_1473, %convert_element_type3A_1470, %dot_general3A_1474 {dimension_numbers = #tpu.dot_dimension_numbers<[0], [0], [1], [1], [0, 1, 1, 1], [], []>, transpose_lhs_hint = false} : vector<256x128xbf16>, vector<256x1024xbf16>, vector<128x1024xf32> -> vector<128x1024xf32>
    %slice3A_1476 = vector.extract_strided_slice %dot_general3A_1475 {offsets = [0, 0], sizes = [64, 1024], strides = [1, 1]} : vector<128x1024xf32> to vector<64x1024xf32>
    %slice3A_1477 = vector.extract_strided_slice %dot_general3A_1475 {offsets = [64, 0], sizes = [64, 1024], strides = [1, 1]} : vector<128x1024xf32> to vector<64x1024xf32>
    %add3A_1478 = arith.addf %slice3A_1476, %slice3A_1477 : vector<64x1024xf32>
    %swap3A_1479 = arith.constant 22 : index
    %swap3A_1480 = arith.constant 0 : index
    %swap3A_1481 = arith.constant 0 : index
    %swap3A_1482 = vector.load %arg3[%swap3A_1479, %swap3A_1480, %swap3A_1481] : memref<26x64x1024xf32, #tpu.memory_space<vmem>>, vector<1x64x1024xf32>
    %swap3A_1483 = vector.shape_cast %swap3A_1482 : vector<1x64x1024xf32> to vector<64x1024xf32>
    %swap3A_1484 = vector.shape_cast %add3A_1478 : vector<64x1024xf32> to vector<1x64x1024xf32>
    tpu.vector_store %arg3[%swap3A_1479, %swap3A_1480, %swap3A_1481], %swap3A_1484 {strides = array<i32>} : memref<26x64x1024xf32, #tpu.memory_space<vmem>>, vector<1x64x1024xf32>,
    %mul3A_1485 = arith.constant 8 : i32
    %mul3A_1486 = arith.muli %mul3A_1485, %arg0 : i32
    %add3A_1487 = arith.constant 736 : i32
    %add3A_1488 = arith.addi %add3A_1487, %mul3A_1486 : i32
    %add3A_1489 = arith.constant 0 : i32
    %add3A_1490 = arith.addi %add3A_1488, %add3A_1489 : i32
    %get3A_1491 = arith.index_cast %add3A_1490 : i32 to index
    %get3A_1492 = arith.constant 0 : index
    %get3A_1493 = vector.load %arg1[%get3A_1491, %get3A_1492] : memref<832x128xi32, #tpu.memory_space<vmem>>, vector<1x128xi32>
    %add3A_1494 = arith.constant 1 : i32
    %add3A_1495 = arith.addi %add3A_1488, %add3A_1494 : i32
    %get3A_1496 = arith.index_cast %add3A_1495 : i32 to index
    %get3A_1497 = arith.constant 0 : index
    %get3A_1498 = vector.load %arg1[%get3A_1496, %get3A_1497] : memref<832x128xi32, #tpu.memory_space<vmem>>, vector<1x128xi32>
    %add3A_1499 = arith.constant 2 : i32
    %add3A_1500 = arith.addi %add3A_1488, %add3A_1499 : i32
    %get3A_1501 = arith.index_cast %add3A_1500 : i32 to index
    %get3A_1502 = arith.constant 0 : index
    %get3A_1503 = vector.load %arg1[%get3A_1501, %get3A_1502] : memref<832x128xi32, #tpu.memory_space<vmem>>, vector<1x128xi32>
    %add3A_1504 = arith.constant 3 : i32
    %add3A_1505 = arith.addi %add3A_1488, %add3A_1504 : i32
    %get3A_1506 = arith.index_cast %add3A_1505 : i32 to index
    %get3A_1507 = arith.constant 0 : index
    %get3A_1508 = vector.load %arg1[%get3A_1506, %get3A_1507] : memref<832x128xi32, #tpu.memory_space<vmem>>, vector<1x128xi32>
    %add3A_1509 = arith.constant 4 : i32
    %add3A_1510 = arith.addi %add3A_1488, %add3A_1509 : i32
    %get3A_1511 = arith.index_cast %add3A_1510 : i32 to index
    %get3A_1512 = arith.constant 0 : index
    %get3A_1513 = vector.load %arg1[%get3A_1511, %get3A_1512] : memref<832x128xi32, #tpu.memory_space<vmem>>, vector<1x128xi32>
    %add3A_1514 = arith.constant 5 : i32
    %add3A_1515 = arith.addi %add3A_1488, %add3A_1514 : i32
    %get3A_1516 = arith.index_cast %add3A_1515 : i32 to index
    %get3A_1517 = arith.constant 0 : index
    %get3A_1518 = vector.load %arg1[%get3A_1516, %get3A_1517] : memref<832x128xi32, #tpu.memory_space<vmem>>, vector<1x128xi32>
    %add3A_1519 = arith.constant 6 : i32
    %add3A_1520 = arith.addi %add3A_1488, %add3A_1519 : i32
    %get3A_1521 = arith.index_cast %add3A_1520 : i32 to index
    %get3A_1522 = arith.constant 0 : index
    %get3A_1523 = vector.load %arg1[%get3A_1521, %get3A_1522] : memref<832x128xi32, #tpu.memory_space<vmem>>, vector<1x128xi32>
    %add3A_1524 = arith.constant 7 : i32
    %add3A_1525 = arith.addi %add3A_1488, %add3A_1524 : i32
    %get3A_1526 = arith.index_cast %add3A_1525 : i32 to index
    %get3A_1527 = arith.constant 0 : index
    %get3A_1528 = vector.load %arg1[%get3A_1526, %get3A_1527] : memref<832x128xi32, #tpu.memory_space<vmem>>, vector<1x128xi32>
    %concatenate3A_1529 = tpu.concatenate %get3A_1493, %get3A_1498, %get3A_1503, %get3A_1508, %get3A_1513, %get3A_1518, %get3A_1523, %get3A_1528 in 1 : vector<1x128xi32>, vector<1x128xi32>, vector<1x128xi32>, vector<1x128xi32>, vector<1x128xi32>, vector<1x128xi32>, vector<1x128xi32>, vector<1x128xi32> -> vector<1x1024xi32>
    %broadcast_in_dim3A_1530 = vector.shape_cast %concatenate3A_1529 : vector<1x1024xi32> to vector<1x1024xi32>
    %broadcast_in_dim3A_1531 = vector.broadcast %broadcast_in_dim3A_1530 : vector<1x1024xi32> to vector<256x1024xi32>
    %eq3A_1532 = arith.cmpi eq, %broadcast_in_dim3A_1531, %iota3A : vector<256x1024xi32>
    %convert_element_type3A_1533 = arith.extui %eq3A_1532 : vector<256x1024xi1> to vector<256x1024xi32>
    %convert_element_type3A_1534 = arith.sitofp %convert_element_type3A_1533 : vector<256x1024xi32> to vector<256x1024xf32>
    %convert_element_type3A_1535 = arith.truncf %convert_element_type3A_1534 : vector<256x1024xf32> to vector<256x1024xbf16>
    %get3A_1536 = arith.constant 0 : index
    %get3A_1537 = arith.constant 0 : index
    %get3A_1538 = vector.load %arg2[%get3A_1536, %get3A_1537] : memref<256x128xbf16, #tpu.memory_space<vmem>>, vector<256x128xbf16>
    %dot_general3A_1539 = arith.constant dense<0.000000e+00> : vector<128x1024xf32>
    %dot_general3A_1540 = tpu.matmul %get3A_1538, %convert_element_type3A_1535, %dot_general3A_1539 {dimension_numbers = #tpu.dot_dimension_numbers<[0], [0], [1], [1], [0, 1, 1, 1], [], []>, transpose_lhs_hint = false} : vector<256x128xbf16>, vector<256x1024xbf16>, vector<128x1024xf32> -> vector<128x1024xf32>
    %slice3A_1541 = vector.extract_strided_slice %dot_general3A_1540 {offsets = [0, 0], sizes = [64, 1024], strides = [1, 1]} : vector<128x1024xf32> to vector<64x1024xf32>
    %slice3A_1542 = vector.extract_strided_slice %dot_general3A_1540 {offsets = [64, 0], sizes = [64, 1024], strides = [1, 1]} : vector<128x1024xf32> to vector<64x1024xf32>
    %add3A_1543 = arith.addf %slice3A_1541, %slice3A_1542 : vector<64x1024xf32>
    %swap3A_1544 = arith.constant 23 : index
    %swap3A_1545 = arith.constant 0 : index
    %swap3A_1546 = arith.constant 0 : index
    %swap3A_1547 = vector.load %arg3[%swap3A_1544, %swap3A_1545, %swap3A_1546] : memref<26x64x1024xf32, #tpu.memory_space<vmem>>, vector<1x64x1024xf32>
    %swap3A_1548 = vector.shape_cast %swap3A_1547 : vector<1x64x1024xf32> to vector<64x1024xf32>
    %swap3A_1549 = vector.shape_cast %add3A_1543 : vector<64x1024xf32> to vector<1x64x1024xf32>
    tpu.vector_store %arg3[%swap3A_1544, %swap3A_1545, %swap3A_1546], %swap3A_1549 {strides = array<i32>} : memref<26x64x1024xf32, #tpu.memory_space<vmem>>, vector<1x64x1024xf32>,
    %mul3A_1550 = arith.constant 8 : i32
    %mul3A_1551 = arith.muli %mul3A_1550, %arg0 : i32
    %add3A_1552 = arith.constant 768 : i32
    %add3A_1553 = arith.addi %add3A_1552, %mul3A_1551 : i32
    %add3A_1554 = arith.constant 0 : i32
    %add3A_1555 = arith.addi %add3A_1553, %add3A_1554 : i32
    %get3A_1556 = arith.index_cast %add3A_1555 : i32 to index
    %get3A_1557 = arith.constant 0 : index
    %get3A_1558 = vector.load %arg1[%get3A_1556, %get3A_1557] : memref<832x128xi32, #tpu.memory_space<vmem>>, vector<1x128xi32>
    %add3A_1559 = arith.constant 1 : i32
    %add3A_1560 = arith.addi %add3A_1553, %add3A_1559 : i32
    %get3A_1561 = arith.index_cast %add3A_1560 : i32 to index
    %get3A_1562 = arith.constant 0 : index
    %get3A_1563 = vector.load %arg1[%get3A_1561, %get3A_1562] : memref<832x128xi32, #tpu.memory_space<vmem>>, vector<1x128xi32>
    %add3A_1564 = arith.constant 2 : i32
    %add3A_1565 = arith.addi %add3A_1553, %add3A_1564 : i32
    %get3A_1566 = arith.index_cast %add3A_1565 : i32 to index
    %get3A_1567 = arith.constant 0 : index
    %get3A_1568 = vector.load %arg1[%get3A_1566, %get3A_1567] : memref<832x128xi32, #tpu.memory_space<vmem>>, vector<1x128xi32>
    %add3A_1569 = arith.constant 3 : i32
    %add3A_1570 = arith.addi %add3A_1553, %add3A_1569 : i32
    %get3A_1571 = arith.index_cast %add3A_1570 : i32 to index
    %get3A_1572 = arith.constant 0 : index
    %get3A_1573 = vector.load %arg1[%get3A_1571, %get3A_1572] : memref<832x128xi32, #tpu.memory_space<vmem>>, vector<1x128xi32>
    %add3A_1574 = arith.constant 4 : i32
    %add3A_1575 = arith.addi %add3A_1553, %add3A_1574 : i32
    %get3A_1576 = arith.index_cast %add3A_1575 : i32 to index
    %get3A_1577 = arith.constant 0 : index
    %get3A_1578 = vector.load %arg1[%get3A_1576, %get3A_1577] : memref<832x128xi32, #tpu.memory_space<vmem>>, vector<1x128xi32>
    %add3A_1579 = arith.constant 5 : i32
    %add3A_1580 = arith.addi %add3A_1553, %add3A_1579 : i32
    %get3A_1581 = arith.index_cast %add3A_1580 : i32 to index
    %get3A_1582 = arith.constant 0 : index
    %get3A_1583 = vector.load %arg1[%get3A_1581, %get3A_1582] : memref<832x128xi32, #tpu.memory_space<vmem>>, vector<1x128xi32>
    %add3A_1584 = arith.constant 6 : i32
    %add3A_1585 = arith.addi %add3A_1553, %add3A_1584 : i32
    %get3A_1586 = arith.index_cast %add3A_1585 : i32 to index
    %get3A_1587 = arith.constant 0 : index
    %get3A_1588 = vector.load %arg1[%get3A_1586, %get3A_1587] : memref<832x128xi32, #tpu.memory_space<vmem>>, vector<1x128xi32>
    %add3A_1589 = arith.constant 7 : i32
    %add3A_1590 = arith.addi %add3A_1553, %add3A_1589 : i32
    %get3A_1591 = arith.index_cast %add3A_1590 : i32 to index
    %get3A_1592 = arith.constant 0 : index
    %get3A_1593 = vector.load %arg1[%get3A_1591, %get3A_1592] : memref<832x128xi32, #tpu.memory_space<vmem>>, vector<1x128xi32>
    %concatenate3A_1594 = tpu.concatenate %get3A_1558, %get3A_1563, %get3A_1568, %get3A_1573, %get3A_1578, %get3A_1583, %get3A_1588, %get3A_1593 in 1 : vector<1x128xi32>, vector<1x128xi32>, vector<1x128xi32>, vector<1x128xi32>, vector<1x128xi32>, vector<1x128xi32>, vector<1x128xi32>, vector<1x128xi32> -> vector<1x1024xi32>
    %broadcast_in_dim3A_1595 = vector.shape_cast %concatenate3A_1594 : vector<1x1024xi32> to vector<1x1024xi32>
    %broadcast_in_dim3A_1596 = vector.broadcast %broadcast_in_dim3A_1595 : vector<1x1024xi32> to vector<256x1024xi32>
    %eq3A_1597 = arith.cmpi eq, %broadcast_in_dim3A_1596, %iota3A : vector<256x1024xi32>
    %convert_element_type3A_1598 = arith.extui %eq3A_1597 : vector<256x1024xi1> to vector<256x1024xi32>
    %convert_element_type3A_1599 = arith.sitofp %convert_element_type3A_1598 : vector<256x1024xi32> to vector<256x1024xf32>
    %convert_element_type3A_1600 = arith.truncf %convert_element_type3A_1599 : vector<256x1024xf32> to vector<256x1024xbf16>
    %get3A_1601 = arith.constant 0 : index
    %get3A_1602 = arith.constant 0 : index
    %get3A_1603 = vector.load %arg2[%get3A_1601, %get3A_1602] : memref<256x128xbf16, #tpu.memory_space<vmem>>, vector<256x128xbf16>
    %dot_general3A_1604 = arith.constant dense<0.000000e+00> : vector<128x1024xf32>
    %dot_general3A_1605 = tpu.matmul %get3A_1603, %convert_element_type3A_1600, %dot_general3A_1604 {dimension_numbers = #tpu.dot_dimension_numbers<[0], [0], [1], [1], [0, 1, 1, 1], [], []>, transpose_lhs_hint = false} : vector<256x128xbf16>, vector<256x1024xbf16>, vector<128x1024xf32> -> vector<128x1024xf32>
    %slice3A_1606 = vector.extract_strided_slice %dot_general3A_1605 {offsets = [0, 0], sizes = [64, 1024], strides = [1, 1]} : vector<128x1024xf32> to vector<64x1024xf32>
    %slice3A_1607 = vector.extract_strided_slice %dot_general3A_1605 {offsets = [64, 0], sizes = [64, 1024], strides = [1, 1]} : vector<128x1024xf32> to vector<64x1024xf32>
    %add3A_1608 = arith.addf %slice3A_1606, %slice3A_1607 : vector<64x1024xf32>
    %swap3A_1609 = arith.constant 24 : index
    %swap3A_1610 = arith.constant 0 : index
    %swap3A_1611 = arith.constant 0 : index
    %swap3A_1612 = vector.load %arg3[%swap3A_1609, %swap3A_1610, %swap3A_1611] : memref<26x64x1024xf32, #tpu.memory_space<vmem>>, vector<1x64x1024xf32>
    %swap3A_1613 = vector.shape_cast %swap3A_1612 : vector<1x64x1024xf32> to vector<64x1024xf32>
    %swap3A_1614 = vector.shape_cast %add3A_1608 : vector<64x1024xf32> to vector<1x64x1024xf32>
    tpu.vector_store %arg3[%swap3A_1609, %swap3A_1610, %swap3A_1611], %swap3A_1614 {strides = array<i32>} : memref<26x64x1024xf32, #tpu.memory_space<vmem>>, vector<1x64x1024xf32>,
    %mul3A_1615 = arith.constant 8 : i32
    %mul3A_1616 = arith.muli %mul3A_1615, %arg0 : i32
    %add3A_1617 = arith.constant 800 : i32
    %add3A_1618 = arith.addi %add3A_1617, %mul3A_1616 : i32
    %add3A_1619 = arith.constant 0 : i32
    %add3A_1620 = arith.addi %add3A_1618, %add3A_1619 : i32
    %get3A_1621 = arith.index_cast %add3A_1620 : i32 to index
    %get3A_1622 = arith.constant 0 : index
    %get3A_1623 = vector.load %arg1[%get3A_1621, %get3A_1622] : memref<832x128xi32, #tpu.memory_space<vmem>>, vector<1x128xi32>
    %add3A_1624 = arith.constant 1 : i32
    %add3A_1625 = arith.addi %add3A_1618, %add3A_1624 : i32
    %get3A_1626 = arith.index_cast %add3A_1625 : i32 to index
    %get3A_1627 = arith.constant 0 : index
    %get3A_1628 = vector.load %arg1[%get3A_1626, %get3A_1627] : memref<832x128xi32, #tpu.memory_space<vmem>>, vector<1x128xi32>
    %add3A_1629 = arith.constant 2 : i32
    %add3A_1630 = arith.addi %add3A_1618, %add3A_1629 : i32
    %get3A_1631 = arith.index_cast %add3A_1630 : i32 to index
    %get3A_1632 = arith.constant 0 : index
    %get3A_1633 = vector.load %arg1[%get3A_1631, %get3A_1632] : memref<832x128xi32, #tpu.memory_space<vmem>>, vector<1x128xi32>
    %add3A_1634 = arith.constant 3 : i32
    %add3A_1635 = arith.addi %add3A_1618, %add3A_1634 : i32
    %get3A_1636 = arith.index_cast %add3A_1635 : i32 to index
    %get3A_1637 = arith.constant 0 : index
    %get3A_1638 = vector.load %arg1[%get3A_1636, %get3A_1637] : memref<832x128xi32, #tpu.memory_space<vmem>>, vector<1x128xi32>
    %add3A_1639 = arith.constant 4 : i32
    %add3A_1640 = arith.addi %add3A_1618, %add3A_1639 : i32
    %get3A_1641 = arith.index_cast %add3A_1640 : i32 to index
    %get3A_1642 = arith.constant 0 : index
    %get3A_1643 = vector.load %arg1[%get3A_1641, %get3A_1642] : memref<832x128xi32, #tpu.memory_space<vmem>>, vector<1x128xi32>
    %add3A_1644 = arith.constant 5 : i32
    %add3A_1645 = arith.addi %add3A_1618, %add3A_1644 : i32
    %get3A_1646 = arith.index_cast %add3A_1645 : i32 to index
    %get3A_1647 = arith.constant 0 : index
    %get3A_1648 = vector.load %arg1[%get3A_1646, %get3A_1647] : memref<832x128xi32, #tpu.memory_space<vmem>>, vector<1x128xi32>
    %add3A_1649 = arith.constant 6 : i32
    %add3A_1650 = arith.addi %add3A_1618, %add3A_1649 : i32
    %get3A_1651 = arith.index_cast %add3A_1650 : i32 to index
    %get3A_1652 = arith.constant 0 : index
    %get3A_1653 = vector.load %arg1[%get3A_1651, %get3A_1652] : memref<832x128xi32, #tpu.memory_space<vmem>>, vector<1x128xi32>
    %add3A_1654 = arith.constant 7 : i32
    %add3A_1655 = arith.addi %add3A_1618, %add3A_1654 : i32
    %get3A_1656 = arith.index_cast %add3A_1655 : i32 to index
    %get3A_1657 = arith.constant 0 : index
    %get3A_1658 = vector.load %arg1[%get3A_1656, %get3A_1657] : memref<832x128xi32, #tpu.memory_space<vmem>>, vector<1x128xi32>
    %concatenate3A_1659 = tpu.concatenate %get3A_1623, %get3A_1628, %get3A_1633, %get3A_1638, %get3A_1643, %get3A_1648, %get3A_1653, %get3A_1658 in 1 : vector<1x128xi32>, vector<1x128xi32>, vector<1x128xi32>, vector<1x128xi32>, vector<1x128xi32>, vector<1x128xi32>, vector<1x128xi32>, vector<1x128xi32> -> vector<1x1024xi32>
    %broadcast_in_dim3A_1660 = vector.shape_cast %concatenate3A_1659 : vector<1x1024xi32> to vector<1x1024xi32>
    %broadcast_in_dim3A_1661 = vector.broadcast %broadcast_in_dim3A_1660 : vector<1x1024xi32> to vector<256x1024xi32>
    %eq3A_1662 = arith.cmpi eq, %broadcast_in_dim3A_1661, %iota3A : vector<256x1024xi32>
    %convert_element_type3A_1663 = arith.extui %eq3A_1662 : vector<256x1024xi1> to vector<256x1024xi32>
    %convert_element_type3A_1664 = arith.sitofp %convert_element_type3A_1663 : vector<256x1024xi32> to vector<256x1024xf32>
    %convert_element_type3A_1665 = arith.truncf %convert_element_type3A_1664 : vector<256x1024xf32> to vector<256x1024xbf16>
    %get3A_1666 = arith.constant 0 : index
    %get3A_1667 = arith.constant 0 : index
    %get3A_1668 = vector.load %arg2[%get3A_1666, %get3A_1667] : memref<256x128xbf16, #tpu.memory_space<vmem>>, vector<256x128xbf16>
    %dot_general3A_1669 = arith.constant dense<0.000000e+00> : vector<128x1024xf32>
    %dot_general3A_1670 = tpu.matmul %get3A_1668, %convert_element_type3A_1665, %dot_general3A_1669 {dimension_numbers = #tpu.dot_dimension_numbers<[0], [0], [1], [1], [0, 1, 1, 1], [], []>, transpose_lhs_hint = false} : vector<256x128xbf16>, vector<256x1024xbf16>, vector<128x1024xf32> -> vector<128x1024xf32>
    %slice3A_1671 = vector.extract_strided_slice %dot_general3A_1670 {offsets = [0, 0], sizes = [64, 1024], strides = [1, 1]} : vector<128x1024xf32> to vector<64x1024xf32>
    %slice3A_1672 = vector.extract_strided_slice %dot_general3A_1670 {offsets = [64, 0], sizes = [64, 1024], strides = [1, 1]} : vector<128x1024xf32> to vector<64x1024xf32>
    %add3A_1673 = arith.addf %slice3A_1671, %slice3A_1672 : vector<64x1024xf32>
    %swap3A_1674 = arith.constant 25 : index
    %swap3A_1675 = arith.constant 0 : index
    %swap3A_1676 = arith.constant 0 : index
    %swap3A_1677 = vector.load %arg3[%swap3A_1674, %swap3A_1675, %swap3A_1676] : memref<26x64x1024xf32, #tpu.memory_space<vmem>>, vector<1x64x1024xf32>
    %swap3A_1678 = vector.shape_cast %swap3A_1677 : vector<1x64x1024xf32> to vector<64x1024xf32>
    %swap3A_1679 = vector.shape_cast %add3A_1673 : vector<64x1024xf32> to vector<1x64x1024xf32>
    tpu.vector_store %arg3[%swap3A_1674, %swap3A_1675, %swap3A_1676], %swap3A_1679 {strides = array<i32>} : memref<26x64x1024xf32, #tpu.memory_space<vmem>>, vector<1x64x1024xf32>,
    return
  }
  func.func @transform_0(%arg0: i32) -> (i32, i32) {
    %c0_i32 = arith.constant 0 : i32
    %c0_i32_0 = arith.constant 0 : i32
    %c0_i32_1 = arith.constant 0 : i32
    return %c0_i32, %c0_i32_0 : i32, i32
  }
  func.func @transform_1(%arg0: i32) -> (i32, i32) {
    %c0_i32 = arith.constant 0 : i32
    %c0_i32_0 = arith.constant 0 : i32
    %c0_i32_1 = arith.constant 0 : i32
    return %c0_i32, %c0_i32_0 : i32, i32
  }
  func.func @transform_2(%arg0: i32) -> (i32, i32, i32) {
    %c0_i32 = arith.constant 0 : i32
    %c0_i32_0 = arith.constant 0 : i32
    %c0_i32_1 = arith.constant 0 : i32
    return %c0_i32, %c0_i32_0, %arg0 : i32, i32, i32
  }
}

</mosaic_0001>

<sc_bundles>
// kernel: kernel.4.cloned.1.call-start
scs
__scs_entry_jumppad:
0x0: {  	(pc) =	sbr.rel $0x88, $3  }
0x1: {  	(tag) =	ssettag $0x0;
	lr =	simm.s32 $0x1  }
0x2: {  	[smem:$0x3F9E] =	sst lr;
	_ =	strace $0xD0000000  }
0x3: {  	_ = 	snop  }
0x4: {  	_ = 	snop  }
0x5: {  	_ = 	snop  }
0x6: {  	_ = 	snop  }
0x7: {  	_ = 	snop  }
__scs_overlays_trampoline_lowered:
0x8: {  	[smem:$0x3FAD] =	sst s0  }
0x9: {  	[smem:$0x3FAE] =	sst s1  }
0xa: {  	[smem:$0x3FAF] =	sst s2  }
0xb: {  	[smem:$0x3FB0] =	sst s3  }
0xc: {  	[smem:$0x3FB1] =	sst s4  }
0xd: {  	[smem:$0x3FB2] =	sst s5  }
0xe: {  	[smem:$0x3FB3] =	sst s6  }
0xf: {  	[smem:$0x3FB4] =	sst s7  }
0x10: {  	[smem:$0x3FB5] =	sst s8  }
0x11: {  	[smem:$0x3FB6] =	sst s9;
	s0 =	simm.s32 @!p0 $0x0  }
0x12: {  	s1 =	sld [smem:$0x3F9C];
	s0 =	simm.s32 @p0 $0x1  }
0x13: {  	[smem:$0x3FB7] =	sst s0;
	s0 =	simm.s32 @!p1 $0x0  }
0x14: {  	s2 =	sld [smem:$0x3F9B];
	s0 =	simm.s32 @p1 $0x1  }
0x15: {  	[smem:$0x3FB8] =	sst s0;
	s0 =	simm.s32 @!p2 $0x0  }
0x16: {  	s3 =	sld [smem:$0x3FDB];
	s0 =	simm.s32 @p2 $0x1  }
0x17: {  	s4 =	simm.s32 $0x1BF5;
	[smem:$0x3FBA] =	sst s0  }
0x18: {  	s0 =	sld [smem:$0x3F9D];
	_ =	swait.ge [sflag:s4], $0x0  }
0x19: {  	s7 =	sld [smem:$0x3F9E]  }
0x1a: {  	s8 =	sadd.s32 $0xFFFFE003, lr  }
0x1b: {  	s9 =	sadd.s32 $0xFFFFFEF7, lr;
	s5 =	simm.s32 $0xFFFFFFFF;
	p2 =	slt.u32 s8, $0xFFFFF086  }
0x1c: {  	p1 =	slt.u32 s9, $0xF7A;
	s5 =	simm.s32 @!p2 $0x0  }
0x1d: {  	s5 =	simm.s32 @p1 $0x1;
	p0 =	seq.s32 s7, s2  }
0x1e: {  	s7 =	smul.u32 @!p0 $0xF7A, s2;
	p2 =	seq.s32 @!p0 s5, $0x0  }
0x1f: {  	s9 =	smul.u32 $0xF7A, s1;
	s8 =	simm.s32 @!p0 $0x1BF5;
	p2 =	por !p2, p0  }
0x20: {  	[sflag:s8] =	ssyncset.s32 @!p0 $0xFFFFF086;
	s6 =	sadd.s32 @!p0 s3, s7;
	s7 =	simm.s32 @!p0 $0x108  }
0x21: {  	s3 =	sadd.s32 s3, s9;
	s6 =	sadd.s32 @!p0 $0x88, s6;
	s7 =	simm.s32 @p2 $0x1082  }
0x22: {  	[simem:s7], [sflag:s8] =	dma.local @!p0 [hbm:s6], $0xF7A  }
0x23: {  	s9 =	sor.u32 $0xD0000000, s2;
	s6 =	simm.s32 $0x108;
	_ =	swait.ge @!p0 [sflag:s8], $0x0  }
0x24: {  	s3 =	sadd.s32 $0x88, s3;
	s6 =	simm.s32 @!p1 $0x1082;
	[sflag:s4] =	ssyncset.s32 $0xFFFFF086  }
0x25: {  	[simem:s6], [sflag:s4] =	dma.local [hbm:s3], $0xF7A  }
0x26: {  	[smem:$0x3F9E] =	sst s1;
	(tag) =	ssettag s2;
	_ =	strace s9  }
0x27: {  	s1 =	sld [smem:$0x3FAE]  }
0x28: {  	s2 =	sld [smem:$0x3FAF]  }
0x29: {  	s4 =	sld [smem:$0x3FB1]  }
0x2a: {  	p0 =	seq.s32 s5, $0x0;
	s5 =	sld [smem:$0x3FB2]  }
0x2b: {  	s6 =	sld [smem:$0x3FB3]  }
0x2c: {  	s7 =	sld [smem:$0x3FB4]  }
0x2d: {  	s3 =	simm.s32 $0x108;
	s8 =	sld [smem:$0x3FB5]  }
0x2e: {  	s3 =	simm.s32 @!p0 $0x1082;
	s9 =	sld [smem:$0x3FB6]  }
0x2f: {  	lr =	sadd.s32 s0, s3;
	s0 =	sld [smem:$0x3FAD]  }
0x30: {  	s3 =	sld [smem:$0x3FB0]  }
0x31: {  	[smem:$0x3FB9] =	sst s10  }
0x32: {  	s10 =	sld [smem:$0x3FB7];
	_ =	sdelay $0x3  }
0x33: {  	p0 =	seq.s32 s10, $0x1;
	s10 =	sld [smem:$0x3FB9];
	_ =	sdelay $0x3  }
0x34: {  	[smem:$0x3FB9] =	sst s10  }
0x35: {  	s10 =	sld [smem:$0x3FB8];
	_ =	sdelay $0x3  }
0x36: {  	p1 =	seq.s32 s10, $0x1;
	s10 =	sld [smem:$0x3FB9];
	_ =	sdelay $0x3  }
0x37: {  	[smem:$0x3FB9] =	sst s10  }
0x38: {  	s10 =	sld [smem:$0x3FBA]  }
0x39: {  	_ = 	snop;
	(pc) =	sbr.ind lr, $3  }
0x3a: {  	_ = 	snop  }
0x3b: {  	_ = 	snop  }
0x3c: {  	p2 =	seq.s32 s10, $0x1;
	s10 =	sld [smem:$0x3FB9]  }
0x3d: {  	_ =	shalt  }
0x3e: {  	_ =	shalt  }
0x3f: {  	_ =	shalt  }
0x40: {  	_ =	shalt  }
0x41: {  	_ =	shalt  }
0x42: {  	_ =	shalt  }
0x43: {  	_ =	shalt  }
0x44: {  	_ =	shalt  }
0x45: {  	_ =	shalt  }
0x46: {  	_ =	shalt  }
0x47: {  	_ =	shalt  }
0x48: {  	_ =	shalt  }
0x49: {  	_ =	shalt  }
0x4a: {  	_ =	shalt  }
0x4b: {  	_ =	shalt  }
0x4c: {  	_ =	shalt  }
0x4d: {  	_ =	shalt  }
0x4e: {  	_ =	shalt  }
0x4f: {  	_ =	shalt  }
0x50: {  	_ =	shalt  }
0x51: {  	_ =	shalt  }
0x52: {  	_ =	shalt  }
0x53: {  	_ =	shalt  }
0x54: {  	_ =	shalt  }
0x55: {  	_ =	shalt  }
0x56: {  	_ =	shalt  }
0x57: {  	_ =	shalt  }
0x58: {  	_ =	shalt  }
0x59: {  	_ =	shalt  }
0x5a: {  	_ =	shalt  }
0x5b: {  	_ =	shalt  }
0x5c: {  	_ =	shalt  }
0x5d: {  	_ =	shalt  }
0x5e: {  	_ =	shalt  }
0x5f: {  	_ =	shalt  }
0x60: {  	_ =	shalt  }
0x61: {  	_ =	shalt  }
0x62: {  	_ =	shalt  }
0x63: {  	_ =	shalt  }
0x64: {  	_ =	shalt  }
0x65: {  	_ =	shalt  }
0x66: {  	_ =	shalt  }
0x67: {  	_ =	shalt  }
0x68: {  	_ =	shalt  }
0x69: {  	_ =	shalt  }
0x6a: {  	_ =	shalt  }
0x6b: {  	_ =	shalt  }
0x6c: {  	_ =	shalt  }
0x6d: {  	_ =	shalt  }
0x6e: {  	_ =	shalt  }
0x6f: {  	_ =	shalt  }
0x70: {  	_ =	shalt  }
0x71: {  	_ =	shalt  }
0x72: {  	_ =	shalt  }
0x73: {  	_ =	shalt  }
0x74: {  	_ =	shalt  }
0x75: {  	_ =	shalt  }
0x76: {  	_ =	shalt  }
0x77: {  	_ =	shalt  }
0x78: {  	_ =	shalt  }
0x79: {  	_ =	shalt  }
0x7a: {  	_ =	shalt  }
0x7b: {  	_ =	shalt  }
0x7c: {  	_ =	shalt  }
0x7d: {  	_ =	shalt  }
0x7e: {  	_ =	shalt  }
0x7f: {  	_ =	shalt  }
0x80: {  	_ =	shalt  }
0x81: {  	_ =	shalt  }
0x82: {  	_ =	shalt  }
0x83: {  	_ =	shalt  }
0x84: {  	_ =	shalt  }
0x85: {  	_ =	shalt  }
0x86: {  	_ =	shalt  }
0x87: {  	_ =	shalt  }
.Lfunc_end0:
.L_simem_size_0:
called_computation_lowered:
.L_overlay_start_0:
0x88: {  	s2 =	sld [smem:$0x3FD9]  }
0x89: {  	s3 =	sld [smem:$0x3FFE];
	_ =	sdelay $0x1  }
0x8a: {  	s1 =	srdreg.scid  }
0x8b: {  	s0 =	sand.u32 $0x1, s1  }
0x8c: {  	s17 =	sshll.u32 s0, $0xA;
	s2 =	sadd.s32 s3, s2  }
0x8d: {  	s2 =	sadd.s32 s2, s17  }
0x8e: {  	[smem:$0x3FC5] =	sst s2  }
0x8f: {  	_ = 	snop  }
0x90: {  	s2 =	sld [smem:$0x3FC8]  }
0x91: {  	s18 =	sld [smem:$0x3FD0];
	(tm) =	ssettm $0x1  }
0x92: {  	s4 =	sld [smem:$0x3FFB];
	_ =	sdelay $0x3  }
0x93: {  	_ =	strace s4  }
0x94: {  	s4 =	sld [smem:$0x3FFC];
	_ =	sdelay $0x3  }
0x95: {  	_ =	strace s4  }
0x96: {  	s4 =	sld [smem:$0x3FFD];
	_ =	sdelay $0x3  }
0x97: {  	_ =	strace s4  }
0x98: {  	_ =	strace $0x8FFFFFFF  }
0x99: {  	s19 =	sld [smem:$0x3FDB];
	_ =	sdelay $0x1  }
0x9a: {  	s5 =	simm.s32 $_scs_section_size  }
0x9b: {  	s6 =	simm.s32 $_size__tile_overlayer_lowered;
	s7 =	simm.s32 $_tile_overlayer_lowered  }
0x9c: {  	s22 =	simm.s32 $0x1BFF;
	s21 =	sshll.u32 s7, $0x1;
	s4 =	sadd.s32 s5, s19  }
0x9d: {  	s8 =	simm.s32 $0x0;
	s20 =	sshll.u32 s6, $0x1;
	s6 =	sadd.s32 s21, s4  }
0x9e: {  	[timem:s8], [sflag:s22] =	dma.local [hbm:s6], s20  }
0x9f: {  	_ =	swait.ge [sflag:s22], s20  }
0xa0: {  	s5 =	ssub.s32 $0x0, s20;
	[sflag:s22] =	ssyncset.done $0x0  }
0xa1: {  	[sflag:s22] =	ssyncadd.s32 s5;
	_ =	sdelay $0x1  }
0xa2: {  	s23 =	simm.s32 $0x1B8B  }
0xa3: {  	_ =	swait.ge [sflag:s23], $0x1  }
0xa4: {  	[sflag:s23] =	ssyncset.done $0x0  }
0xa5: {  	s25 =	simm.s32 $0x1B8E;
	s24 =	sld [smem:$0x3FFE];
	[sflag:s23] =	ssyncadd.s32 $0xFFFFFFFF  }
0xa6: {  	s26 =	simm.s32 $execute0_lowered;
	[smem:$0x3FD2] =	sst s25  }
0xa7: {  	s6 =	sshll.u32 s26, $0x1;
	_ =	strace $0x80000046;
	[dreg:$0x1] =	wrdreg $0xFFFFFFFF  }
0xa8: {  	s28 =	simm.s32 $_size_execute0_lowered;
	s4 =	sadd.s32 s4, s6;
	[dreg:$0x0] =	wrdreg $0x0  }
0xa9: {  	s6 =	sshll.u32 s28, $0x1;
	[dreg:$0x2] =	wrdreg s4  }
0xaa: {  	[dreg:$0x3] =	wrdreg s6  }
0xab: {  	[dreg:$0x4] =	wrdreg $0xC0  }
0xac: {  	_ =	task [dreg:s8], $0x5FFFF  }
0xad: {  	[dreg:$0x1] =	wrdreg $0xFFFFFFFF  }
0xae: {  	[dreg:$0x0] =	wrdreg $0x60  }
0xaf: {  	[dreg:$0x2] =	wrdreg s18  }
0xb0: {  	[dreg:$0x3] =	wrdreg s2  }
0xb1: {  	[dreg:$0x4] =	wrdreg s24  }
0xb2: {  	[dreg:$0x5] =	wrdreg $0x9  }
0xb3: {  	_ =	task.clear_ibuf [dreg:s8], $0x6FFFF;
	_ =	strace $0x90000046  }
0xb4: {  	s29 =	simm.s32 $0x9;
	_ =	strace $0x80000048  }
0xb5: {  	_ =	swait.ge [sflag:s29], $0x1  }
0xb6: {  	[sflag:s29] =	ssyncadd.s32 $0xFFFFFFFF  }
0xb7: {  	_ =	strace $0x90000048  }
0xb8: {  	_ =	sfence  }
0xb9: {  	s30 =	sld [smem:$0x0];
	_ =	sdelay $0x2  }
0xba: {  	s31 =	sshll.u32 s1, $0xD;
	s1 =	sshrl.u32 s1, $0x2  }
0xbb: {  	s3 =	sand.u32 $0x4000, s31;
	s1 =	sadd.s32 s1, s30  }
0xbc: {  	s0 =	sor.u32 s3, s0;
	s1 =	sshll.u32 s1, $0x11  }
0xbd: {  	s0 =	sor.u32 s1, s0  }
0xbe: {  	s0 =	sadd.s32 $0x8F2B, s0  }
0xbf: {  	[sflag:s0] =	ssyncadd.remote.s32 $0x1  }
0xc0: {  	_ =	sfence.sel $0xFFFF  }
0xc1: {  	[dreg:$0x0] =	wrdreg $0xFFFFFFFF;
	(pc) =	sbr.abs _section_cstart, $3  }
0xc2: {  	[dreg:$0x1] =	wrdreg $0xFFFFFFFF  }
0xc3: {  	_ =	task.clear_ibuf [dreg:s8], $0x2FFFF;
	_ =	strace $0x9FFFFFFF  }
0xc4: {  	(tm) =	ssettm $0x7FFFFFFF  }
0xc5: {  	_ =	shalt  }
tec
execute0_lowered:
.L_overlay_start_1:
0x0: {  	(tag) =	ssettag $0x1  }
0x1: {  	s1 =	srdreg.scid;
	s0 =	stileid.u32  }
0x2: {  	s4 =	rddreg [dreg:$0x0];
	s1 =	sand.u32 $0x1, s1;
	s3 =	sshll.u32 s0, $0x1  }
0x3: {  	s2 =	rddreg [dreg:$0x1];
	s3 =	sor.u32 s1, s3  }
0x4: {  	s5 =	rddreg [dreg:$0x2];
	s6 =	smul.u32 $0x1A0, s3;
	s3 =	simm.s32 $0x0  }
0x5: {  	s17 =	simm.s32 $0xD80;
	[smem:$0x7FF] =	sst s3  }
0x6: {  	s18 =	simm.s32 $0x100;
	_ =	strace $0x80000047;
	[dreg:$0x6] =	wrdreg s17  }
0x7: {  	s19 =	simm.s32 $0xE00;
	[dreg:$0x7] =	wrdreg s18  }
0x8: {  	s20 =	simm.s32 $0x180;
	[dreg:$0x8] =	wrdreg s19  }
0x9: {  	s21 =	simm.s32 $0xE80;
	[dreg:$0x9] =	wrdreg s20  }
0xa: {  	s22 =	simm.s32 $0x200;
	[dreg:$0xa] =	wrdreg s21  }
0xb: {  	s23 =	simm.s32 $0xF00;
	[dreg:$0xb] =	wrdreg s22  }
0xc: {  	s24 =	simm.s32 $0x280;
	[dreg:$0xc] =	wrdreg s23  }
0xd: {  	s25 =	simm.s32 $0xF80;
	[dreg:$0xd] =	wrdreg s24  }
0xe: {  	s26 =	simm.s32 $0x300;
	[dreg:$0xe] =	wrdreg s25  }
0xf: {  	s0 =	simm.s32 $0x1000;
	[dreg:$0xf] =	wrdreg s26  }
0x10: {  	s7 =	simm.s32 $0x1080;
	[dreg:$0x10] =	wrdreg s0  }
0x11: {  	s8 =	simm.s32 $0x400;
	[dreg:$0x12] =	wrdreg s7  }
0x12: {  	s9 =	simm.s32 $0x1100;
	[dreg:$0x13] =	wrdreg s8  }
0x13: {  	s10 =	simm.s32 $0x480;
	[dreg:$0x14] =	wrdreg s9  }
0x14: {  	s11 =	simm.s32 $0x1180;
	[dreg:$0x15] =	wrdreg s10  }
0x15: {  	s12 =	simm.s32 $0x500;
	[dreg:$0x16] =	wrdreg s11  }
0x16: {  	s13 =	simm.s32 $0x1200;
	[dreg:$0x17] =	wrdreg s12  }
0x17: {  	s14 =	simm.s32 $0x580;
	[dreg:$0x18] =	wrdreg s13  }
0x18: {  	s15 =	simm.s32 $0x1280;
	s4 =	sadd.s32 s4, s6;
	[dreg:$0x19] =	wrdreg s14  }
0x19: {  	s5 =	sadd.s32 s6, s5;
	s6 =	simm.s32 $0x380;
	[dreg:$0x1a] =	wrdreg s15  }
0x1a: {  	s17 =	simm.s32 $0x1300;
	[dreg:$0x11] =	wrdreg s6  }
0x1b: {  	s18 =	simm.s32 $0x1380;
	[dreg:$0x1c] =	wrdreg s17  }
0x1c: {  	s19 =	simm.s32 $0x700;
	[dreg:$0x1d] =	wrdreg s18  }
0x1d: {  	s20 =	simm.s32 $0x1400;
	[dreg:$0x1e] =	wrdreg s19  }
0x1e: {  	s21 =	simm.s32 $0x780;
	[dreg:$0x1f] =	wrdreg s20  }
0x1f: {  	s22 =	simm.s32 $0x1480;
	[smem:$0x7FC] =	sst s21  }
0x20: {  	s7 =	simm.s32 $0x800;
	[smem:$0x7FB] =	sst s22  }
0x21: {  	[tilespmem:s3], [sflag:$0x2] =	stream.linear.gather [hbm4b:s4+s3], $0x680, $0x38;
	[tilespmem:$0x1A00] =	vst v63  }
0x22: {  	s16 =	sadd.s32 $0xD0, s4;
	[smem:$0x7FD] =	sst s7  }
0x23: {  	s5 =	sadd.s32 $0x600, s5;
	[dreg:$0x4] =	wrdreg s16  }
0x24: {  	[dreg:$0x5] =	wrdreg s5;
	s16 =	simm.s32 $0x600  }
0x25: {  	[dreg:$0x1b] =	wrdreg s16  }
0x26: {  	s6 =	simm.s32 $0x2;
	s5 =	simm.s32 $0x680;
	s8 =	rddreg [dreg:$0x4]  }
0x27: {  	[tilespmem:s5], [sflag:$0x3] =	stream.linear.gather [hbm4b:s8+s3], $0x680, $0x38;
	[tilespmem:$0x1A00] =	vst v63  }
0x28: {  	_ =	swait.ge [sflag:s6], $0x680  }
0x29: {  	s9 =	rddreg [dreg:$0xe]  }
0x2a: {  	s10 =	rddreg [dreg:$0xb]  }
0x2b: {  	s11 =	rddreg [dreg:$0x18]  }
0x2c: {  	s12 =	rddreg [dreg:$0x9]  }
0x2d: {  	s13 =	rddreg [dreg:$0x14]  }
0x2e: {  	s14 =	rddreg [dreg:$0x10]  }
0x2f: {  	s15 =	rddreg [dreg:$0xc]  }
0x30: {  	s16 =	rddreg [dreg:$0x7]  }
0x31: {  	s17 =	rddreg [dreg:$0x6]  }
0x32: {  	s7 =	simm.s32 $0xD00;
	[sflag:s6] =	ssyncset.done $0x0;
	s18 =	rddreg [dreg:$0xa]  }
0x33: {  	s8 =	simm.s32 $0x80;
	s19 =	rddreg [dreg:$0x8];
	[sflag:s6] =	ssyncadd.s32 $0xFFFFF980  }
0x34: {  	[tilespmem:s7], [sflag:$0x1] =	stream.indirect.gather [hbm4b:s2+s8], $0x1, s3, s8, $0xb8;
	[tilespmem:$0x1A00] =	vst v63  }
0x35: {  	s20 =	rddreg [dreg:$0xd]  }
0x36: {  	[tilespmem:s17], [sflag:$0x1] =	stream.indirect.gather [hbm4b:s2+s8], $0x1, s8, s8, $0xb8;
	[tilespmem:$0x1A00] =	vst v63  }
0x37: {  	s21 =	rddreg [dreg:$0xf]  }
0x38: {  	[tilespmem:s19], [sflag:$0x1] =	stream.indirect.gather [hbm4b:s2+s8], $0x1, s16, s8, $0xb8;
	[tilespmem:$0x1A00] =	vst v63  }
0x39: {  	s23 =	rddreg [dreg:$0x12]  }
0x3a: {  	[tilespmem:s18], [sflag:$0x1] =	stream.indirect.gather [hbm4b:s2+s8], $0x1, s12, s8, $0xb8;
	[tilespmem:$0x1A00] =	vst v63  }
0x3b: {  	s24 =	rddreg [dreg:$0x11]  }
0x3c: {  	[tilespmem:s15], [sflag:$0x1] =	stream.indirect.gather [hbm4b:s2+s8], $0x1, s10, s8, $0xb8;
	[tilespmem:$0x1A00] =	vst v63  }
0x3d: {  	s25 =	rddreg [dreg:$0x13]  }
0x3e: {  	[tilespmem:s9], [sflag:$0x1] =	stream.indirect.gather [hbm4b:s2+s8], $0x1, s20, s8, $0xb8;
	[tilespmem:$0x1A00] =	vst v63  }
0x3f: {  	s26 =	rddreg [dreg:$0x16]  }
0x40: {  	[tilespmem:s14], [sflag:$0x1] =	stream.indirect.gather [hbm4b:s2+s8], $0x1, s21, s8, $0xb8;
	[tilespmem:$0x1A00] =	vst v63  }
0x41: {  	s0 =	rddreg [dreg:$0x15]  }
0x42: {  	[tilespmem:s23], [sflag:$0x1] =	stream.indirect.gather [hbm4b:s2+s8], $0x1, s24, s8, $0xb8;
	[tilespmem:$0x1A00] =	vst v63  }
0x43: {  	s19 =	rddreg [dreg:$0x19]  }
0x44: {  	[tilespmem:s13], [sflag:$0x1] =	stream.indirect.gather [hbm4b:s2+s8], $0x1, s25, s8, $0xb8;
	[tilespmem:$0x1A00] =	vst v63  }
0x45: {  	s18 =	rddreg [dreg:$0x1a]  }
0x46: {  	[tilespmem:s26], [sflag:$0x1] =	stream.indirect.gather [hbm4b:s2+s8], $0x1, s0, s8, $0xb8;
	[tilespmem:$0x1A00] =	vst v63  }
0x47: {  	s15 =	rddreg [dreg:$0x17]  }
0x48: {  	[tilespmem:s11], [sflag:$0x1] =	stream.indirect.gather [hbm4b:s2+s8], $0x1, s15, s8, $0xb8;
	[tilespmem:$0x1A00] =	vst v63  }
0x49: {  	s20 =	rddreg [dreg:$0x1b]  }
0x4a: {  	[tilespmem:s18], [sflag:$0x1] =	stream.indirect.gather [hbm4b:s2+s8], $0x1, s19, s8, $0xb8;
	[tilespmem:$0x1A00] =	vst v63  }
0x4b: {  	s9 =	simm.s32 $0x3;
	s21 =	rddreg [dreg:$0x1c]  }
0x4c: {  	[tilespmem:s21], [sflag:$0x1] =	stream.indirect.gather [hbm4b:s2+s8], $0x1, s20, s8, $0xb8;
	[tilespmem:$0x1A00] =	vst v63  }
0x4d: {  	_ =	swait.ge [sflag:s9], $0x680  }
0x4e: {  	s22 =	rddreg [dreg:$0x1e]  }
0x4f: {  	s23 =	rddreg [dreg:$0x1d]  }
0x50: {  	[sflag:s9] =	ssyncset.done $0x0;
	s24 =	rddreg [dreg:$0x1f]  }
0x51: {  	s28 =	simm.s32 $0xC00;
	s25 =	sld [smem:$0x7FB];
	[sflag:s9] =	ssyncadd.s32 $0xFFFFF980  }
0x52: {  	[tilespmem:s23], [sflag:$0x1] =	stream.indirect.gather [hbm4b:s2+s8], $0x1, s5, s8, $0xb8;
	[tilespmem:$0x1A00] =	vst v63  }
0x53: {  	s30 =	simm.s32 $0x1900;
	s1 =	ssub.s32 $0x2, s1;
	s26 =	sld [smem:$0x7FC]  }
0x54: {  	[tilespmem:s24], [sflag:$0x1] =	stream.indirect.gather [hbm4b:s2+s8], $0x1, s22, s8, $0xb8;
	[tilespmem:$0x1A00] =	vst v63  }
0x55: {  	s31 =	simm.s32 $0xC80;
	s10 =	sshrl.u32 s1, $0x1;
	s0 =	sld [smem:$0x7FD]  }
0x56: {  	[tilespmem:s25], [sflag:$0x1] =	stream.indirect.gather [hbm4b:s2+s8], $0x1, s26, s8, $0xb8;
	[tilespmem:$0x1A00] =	vst v63  }
0x57: {  	s17 =	simm.s32 $0x1600;
	s1 =	ssub.s32 s1, s10;
	s13 =	simm.s32 $0x1500  }
0x58: {  	[tilespmem:s13], [sflag:$0x1] =	stream.indirect.gather [hbm4b:s2+s8], $0x1, s0, s8, $0xb8;
	[tilespmem:$0x1A00] =	vst v63  }
0x59: {  	s1 =	smax.u32 s1, $0x1;
	s14 =	simm.s32 $0x880;
	s15 =	simm.s32 $0x1580  }
0x5a: {  	[tilespmem:s15], [sflag:$0x1] =	stream.indirect.gather [hbm4b:s2+s8], $0x1, s14, s8, $0xb8;
	[tilespmem:$0x1A00] =	vst v63  }
0x5b: {  	s16 =	simm.s32 $0x900;
	p0 =	sne.s32 s1, $0x1;
	s29 =	sadd.s32 $0xFFFFFFFF, s1  }
0x5c: {  	[tilespmem:s17], [sflag:$0x1] =	stream.indirect.gather [hbm4b:s2+s8], $0x1, s16, s8, $0xb8;
	[tilespmem:$0x1A00] =	vst v63  }
0x5d: {  	s1 =	simm.s32 $0x1980;
	s18 =	simm.s32 $0x980;
	s19 =	simm.s32 $0x1680  }
0x5e: {  	[tilespmem:s19], [sflag:$0x1] =	stream.indirect.gather [hbm4b:s2+s8], $0x1, s18, s8, $0xb8;
	[tilespmem:$0x1A00] =	vst v63  }
0x5f: {  	s20 =	simm.s32 $0xA00;
	s21 =	simm.s32 $0x1700;
	s23 =	simm.s32 $0x1780  }
0x60: {  	[tilespmem:s21], [sflag:$0x1] =	stream.indirect.gather [hbm4b:s2+s8], $0x1, s20, s8, $0xb8;
	[tilespmem:$0x1A00] =	vst v63  }
.Ltmp0:
0x61: {  	s22 =	simm.s32 $0xA80;
	s24 =	simm.s32 $0xB00;
	(pc) =	sbr.rel @!p0 .LBB2_2-.Ltmp0, $4  }
0x62: {  	[tilespmem:s23], [sflag:$0x1] =	stream.indirect.gather [hbm4b:s2+s8], $0x1, s22, s8, $0xb8;
	[tilespmem:$0x1A00] =	vst v63  }
0x63: {  	s26 =	simm.s32 $0x1800;
	s25 =	simm.s32 $0x1880;
	s22 =	simm.s32 $0xB00  }
0x64: {  	[tilespmem:s26], [sflag:$0x1] =	stream.indirect.gather [hbm4b:s2+s8], $0x1, s24, s8, $0xb8;
	[tilespmem:$0x1A00] =	vst v63  }
0x65: {  	s23 =	simm.s32 $0x1800;
	s26 =	simm.s32 $0x1;
	s24 =	simm.s32 $0x4  }
.LBB2_1:
0x66: {  	s0 =	simm.s32 $0xB80  }
0x67: {  	[tilespmem:s25], [sflag:$0x1] =	stream.indirect.gather [hbm4b:s2+s8], $0x1, s0, s8, $0xb8;
	[tilespmem:$0x1A00] =	vst v63  }
0x68: {  	_ = 	snop  }
0x69: {  	[tilespmem:s30], [sflag:$0x1] =	stream.indirect.gather [hbm4b:s2+s8], $0x1, s28, s8, $0xb8;
	[tilespmem:$0x1A00] =	vst v63  }
0x6a: {  	_ = 	snop  }
0x6b: {  	[tilespmem:s1], [sflag:$0x1] =	stream.indirect.gather [hbm4b:s2+s8], $0x1, s31, s8, $0xb8;
	[tilespmem:$0x1A00] =	vst v63  }
0x6c: {  	_ =	swait.ge [sflag:s26], $0xD00  }
0x6d: {  	[sflag:s26] =	ssyncset.done $0x0  }
0x6e: {  	s13 =	rddreg [dreg:$0x5];
	[sflag:s26] =	ssyncadd.s32 $0xFFFFF300  }
0x6f: {  	[hbm4b:s13+s3] =	stream.linear.scatter [tilespmem:s7], [sflag:$0x4], $0xD00, $0x38;
	[tilespmem:$0x1A00] =	vst v63  }
0x70: {  	_ =	swait.ge [sflag:s24], $0xD00  }
0x71: {  	[sflag:s24] =	ssyncset.done $0x0  }
0x72: {  	[sflag:s24] =	ssyncadd.s32 $0xFFFFF300  }
0x73: {  	[tilespmem:s3], [sflag:$0x2] =	stream.linear.gather [hbm4b:s4+s3], $0x680, $0x38;
	[tilespmem:$0x1A00] =	vst v63  }
0x74: {  	s14 =	rddreg [dreg:$0x4]  }
0x75: {  	[tilespmem:s5], [sflag:$0x3] =	stream.linear.gather [hbm4b:s14+s3], $0x680, $0x38;
	[tilespmem:$0x1A00] =	vst v63  }
0x76: {  	_ =	swait.ge [sflag:s6], $0x680  }
0x77: {  	s0 =	rddreg [dreg:$0xe]  }
0x78: {  	s10 =	rddreg [dreg:$0xb]  }
0x79: {  	s11 =	rddreg [dreg:$0x18]  }
0x7a: {  	s12 =	rddreg [dreg:$0x9]  }
0x7b: {  	s13 =	rddreg [dreg:$0x14]  }
0x7c: {  	s14 =	rddreg [dreg:$0x10]  }
0x7d: {  	s15 =	rddreg [dreg:$0xc]  }
0x7e: {  	s16 =	rddreg [dreg:$0x7]  }
0x7f: {  	s17 =	rddreg [dreg:$0x6]  }
0x80: {  	[sflag:s6] =	ssyncset.done $0x0;
	s18 =	rddreg [dreg:$0xa]  }
0x81: {  	s19 =	rddreg [dreg:$0x8];
	[sflag:s6] =	ssyncadd.s32 $0xFFFFF980  }
0x82: {  	[tilespmem:s7], [sflag:$0x1] =	stream.indirect.gather [hbm4b:s2+s8], $0x1, s3, s8, $0xb8;
	[tilespmem:$0x1A00] =	vst v63  }
0x83: {  	s20 =	rddreg [dreg:$0xd]  }
0x84: {  	[tilespmem:s17], [sflag:$0x1] =	stream.indirect.gather [hbm4b:s2+s8], $0x1, s8, s8, $0xb8;
	[tilespmem:$0x1A00] =	vst v63  }
0x85: {  	s21 =	rddreg [dreg:$0xf]  }
0x86: {  	[tilespmem:s19], [sflag:$0x1] =	stream.indirect.gather [hbm4b:s2+s8], $0x1, s16, s8, $0xb8;
	[tilespmem:$0x1A00] =	vst v63  }
0x87: {  	s17 =	rddreg [dreg:$0x12]  }
0x88: {  	[tilespmem:s18], [sflag:$0x1] =	stream.indirect.gather [hbm4b:s2+s8], $0x1, s12, s8, $0xb8;
	[tilespmem:$0x1A00] =	vst v63  }
0x89: {  	s16 =	rddreg [dreg:$0x11]  }
0x8a: {  	[tilespmem:s15], [sflag:$0x1] =	stream.indirect.gather [hbm4b:s2+s8], $0x1, s10, s8, $0xb8;
	[tilespmem:$0x1A00] =	vst v63  }
0x8b: {  	s19 =	rddreg [dreg:$0x17]  }
0x8c: {  	[tilespmem:s0], [sflag:$0x1] =	stream.indirect.gather [hbm4b:s2+s8], $0x1, s20, s8, $0xb8;
	[tilespmem:$0x1A00] =	vst v63  }
0x8d: {  	s12 =	rddreg [dreg:$0x13]  }
0x8e: {  	[tilespmem:s14], [sflag:$0x1] =	stream.indirect.gather [hbm4b:s2+s8], $0x1, s21, s8, $0xb8;
	[tilespmem:$0x1A00] =	vst v63  }
0x8f: {  	s18 =	rddreg [dreg:$0x15]  }
0x90: {  	[tilespmem:s17], [sflag:$0x1] =	stream.indirect.gather [hbm4b:s2+s8], $0x1, s16, s8, $0xb8;
	[tilespmem:$0x1A00] =	vst v63  }
0x91: {  	s15 =	rddreg [dreg:$0x16]  }
0x92: {  	[tilespmem:s13], [sflag:$0x1] =	stream.indirect.gather [hbm4b:s2+s8], $0x1, s12, s8, $0xb8;
	[tilespmem:$0x1A00] =	vst v63  }
0x93: {  	s20 =	rddreg [dreg:$0x1a]  }
0x94: {  	[tilespmem:s15], [sflag:$0x1] =	stream.indirect.gather [hbm4b:s2+s8], $0x1, s18, s8, $0xb8;
	[tilespmem:$0x1A00] =	vst v63  }
0x95: {  	s21 =	rddreg [dreg:$0x19]  }
0x96: {  	[tilespmem:s11], [sflag:$0x1] =	stream.indirect.gather [hbm4b:s2+s8], $0x1, s19, s8, $0xb8;
	[tilespmem:$0x1A00] =	vst v63  }
0x97: {  	s16 =	rddreg [dreg:$0x1c]  }
0x98: {  	[tilespmem:s20], [sflag:$0x1] =	stream.indirect.gather [hbm4b:s2+s8], $0x1, s21, s8, $0xb8;
	[tilespmem:$0x1A00] =	vst v63  }
0x99: {  	s13 =	rddreg [dreg:$0x1b]  }
0x9a: {  	[tilespmem:s16], [sflag:$0x1] =	stream.indirect.gather [hbm4b:s2+s8], $0x1, s13, s8, $0xb8;
	[tilespmem:$0x1A00] =	vst v63  }
0x9b: {  	_ =	swait.ge [sflag:s9], $0x680  }
0x9c: {  	s17 =	rddreg [dreg:$0x1e]  }
0x9d: {  	s18 =	rddreg [dreg:$0x1f]  }
0x9e: {  	[sflag:s9] =	ssyncset.done $0x0;
	s19 =	rddreg [dreg:$0x1d]  }
0x9f: {  	s20 =	sld [smem:$0x7FB];
	[sflag:s9] =	ssyncadd.s32 $0xFFFFF980  }
0xa0: {  	[tilespmem:s19], [sflag:$0x1] =	stream.indirect.gather [hbm4b:s2+s8], $0x1, s5, s8, $0xb8;
	[tilespmem:$0x1A00] =	vst v63  }
0xa1: {  	s21 =	sld [smem:$0x7FC]  }
0xa2: {  	[tilespmem:s18], [sflag:$0x1] =	stream.indirect.gather [hbm4b:s2+s8], $0x1, s17, s8, $0xb8;
	[tilespmem:$0x1A00] =	vst v63  }
0xa3: {  	s10 =	sld [smem:$0x7FD]  }
0xa4: {  	[tilespmem:s20], [sflag:$0x1] =	stream.indirect.gather [hbm4b:s2+s8], $0x1, s21, s8, $0xb8;
	[tilespmem:$0x1A00] =	vst v63  }
0xa5: {  	s11 =	simm.s32 $0x1500  }
0xa6: {  	[tilespmem:s11], [sflag:$0x1] =	stream.indirect.gather [hbm4b:s2+s8], $0x1, s10, s8, $0xb8;
	[tilespmem:$0x1A00] =	vst v63  }
0xa7: {  	s12 =	simm.s32 $0x880;
	s13 =	simm.s32 $0x1580  }
0xa8: {  	[tilespmem:s13], [sflag:$0x1] =	stream.indirect.gather [hbm4b:s2+s8], $0x1, s12, s8, $0xb8;
	[tilespmem:$0x1A00] =	vst v63  }
0xa9: {  	s14 =	simm.s32 $0x900;
	s15 =	simm.s32 $0x1600  }
0xaa: {  	[tilespmem:s15], [sflag:$0x1] =	stream.indirect.gather [hbm4b:s2+s8], $0x1, s14, s8, $0xb8;
	[tilespmem:$0x1A00] =	vst v63  }
0xab: {  	s16 =	simm.s32 $0x980;
	s17 =	simm.s32 $0x1680  }
0xac: {  	[tilespmem:s17], [sflag:$0x1] =	stream.indirect.gather [hbm4b:s2+s8], $0x1, s16, s8, $0xb8;
	[tilespmem:$0x1A00] =	vst v63  }
0xad: {  	p0 =	sne.s32 s29, $0x1;
	s19 =	simm.s32 $0x1700;
	s18 =	simm.s32 $0xA00  }
0xae: {  	[tilespmem:s19], [sflag:$0x1] =	stream.indirect.gather [hbm4b:s2+s8], $0x1, s18, s8, $0xb8;
	[tilespmem:$0x1A00] =	vst v63  }
.Ltmp1:
0xaf: {  	_ = 	snop;
	(pc) =	sbr.rel @p0 .LBB2_1-.Ltmp1, $4  }
0xb0: {  	s20 =	simm.s32 $0xA80;
	s21 =	simm.s32 $0x1780  }
0xb1: {  	[tilespmem:s21], [sflag:$0x1] =	stream.indirect.gather [hbm4b:s2+s8], $0x1, s20, s8, $0xb8;
	[tilespmem:$0x1A00] =	vst v63  }
0xb2: {  	s29 =	sadd.s32 $0xFFFFFFFF, s29  }
0xb3: {  	[tilespmem:s23], [sflag:$0x1] =	stream.indirect.gather [hbm4b:s2+s8], $0x1, s22, s8, $0xb8;
	[tilespmem:$0x1A00] =	vst v63  }
.LBB2_2:
0xb4: {  	s0 =	simm.s32 $0xB80  }
0xb5: {  	[tilespmem:s25], [sflag:$0x1] =	stream.indirect.gather [hbm4b:s2+s8], $0x1, s0, s8, $0xb8;
	[tilespmem:$0x1A00] =	vst v63  }
0xb6: {  	_ = 	snop  }
0xb7: {  	[tilespmem:s30], [sflag:$0x1] =	stream.indirect.gather [hbm4b:s2+s8], $0x1, s28, s8, $0xb8;
	[tilespmem:$0x1A00] =	vst v63  }
0xb8: {  	_ = 	snop  }
0xb9: {  	[tilespmem:s1], [sflag:$0x1] =	stream.indirect.gather [hbm4b:s2+s8], $0x1, s31, s8, $0xb8;
	[tilespmem:$0x1A00] =	vst v63  }
0xba: {  	_ =	swait.ge [sflag:s26], $0xD00  }
0xbb: {  	[sflag:s26] =	ssyncset.done $0x0  }
0xbc: {  	s30 =	rddreg [dreg:$0x5];
	[sflag:s26] =	ssyncadd.s32 $0xFFFFF300  }
0xbd: {  	[hbm4b:s30+s3] =	stream.linear.scatter [tilespmem:s7], [sflag:$0x4], $0xD00, $0x38;
	[tilespmem:$0x1A00] =	vst v63  }
0xbe: {  	_ =	swait.ge [sflag:s24], $0xD00  }
0xbf: {  	[sflag:s24] =	ssyncset.done $0x0  }
0xc0: {  	[sflag:s24] =	ssyncadd.s32 $0xFFFFF300  }
0xc1: {  	_ =	sfence.sel $0x180000  }
0xc2: {  	[bflag:$0x0] =	sbarrier.arrive $0xFFFF  }
0xc3: {  	_ =	strace $0x90000047  }
0xc4: {  	s31 =	stileid.u32;
	[bflag:$0x2] =	sbarrier.arrive $0xFFFF  }
0xc5: {  	p0 =	sne.s32 s31, $0x0;
	s0 =	rddreg [dreg:$0x3]  }
0xc6: {  	s0 =	sadd.s32 @!p0 $0x100000, s0  }
0xc7: {  	[sflag:s0] =	ssyncadd.tile.s32 @!p0 $0x1;
	_ =	shalt  }
.Lfunc_end2:
_tile_overlayer_lowered:
.L_overlay_start_2:
0xc8: {  	(tag) =	ssettag $0x2  }
0xc9: {  	s0 =	rddreg [dreg:$0x0];
	s2 =	stileid.u32  }
0xca: {  	s1 =	rddreg [dreg:$0x1];
	p0 =	sne.s32 s2, $0x0  }
0xcb: {  	s3 =	rddreg [dreg:$0x2];
	[bflag:$0x3] =	sbarrier.arrive $0xFFFF;
	s2 =	simm.s32 @!p0 $0x1C04  }
0xcc: {  	[timem:s3], [sflag:s2] =	dma.local @!p0 [hbm:s0], s1  }
0xcd: {  	s0 =	simm.s32 @!p0 $0x4  }
0xce: {  	_ =	swait.ge @!p0 [sflag:s0], s1  }
0xcf: {  	s1 =	ssub.s32 @!p0 $0x0, s1;
	[sflag:s0] =	ssyncset.done @!p0 $0x0  }
0xd0: {  	[sflag:s0] =	ssyncadd.s32 @!p0 s1  }
0xd1: {  	[bflag:$0x3] =	sbarrier.arrive $0xFFFF  }
0xd2: {  	_ =	shalt  }

</sc_bundles>
